<compile_context>
chip_gen: v7x
topology: tpu7x:2x2x1
jax: 0.10.2.dev20260603
libtpu: 0.0.44.dev20260713+nightly
codegen_flags: <defaults>
</compile_context>

<pallas_src>
import functools

import jax
import jax.numpy as jnp
from jax import lax
from jax.experimental import pallas as pl
from jax.experimental.pallas import tpu as pltpu
from jax.experimental.pallas import tpu_sc as plsc

_E = 64
_BLK = 256
_CHUNK = 128
_NC = 2
_NS = 16
_NW = _NC * _NS



def _router_body(x_ref, wg_ref, p_ref, sched_ref):
    n = x_ref.shape[0]
    e = _E
    t = n // _BLK
    nv = t + e - 1

    logits = lax.dot_general(
        wg_ref[...], x_ref[...],
        dimension_numbers=(((0,), (1,)), ((), ())),
        preferred_element_type=jnp.float32)
    maxv = jnp.max(logits, axis=0, keepdims=True)
    row = lax.broadcasted_iota(jnp.int32, (e, n), 0)
    eid = jnp.min(jnp.where(logits >= maxv, row, e), axis=0, keepdims=True)

    onehot = (eid == lax.broadcasted_iota(jnp.int32, (e, n), 0)).astype(jnp.float32)

    ci = lax.broadcasted_iota(jnp.int32, (_CHUNK, _CHUNK), 0)
    cj = lax.broadcasted_iota(jnp.int32, (_CHUNK, _CHUNK), 1)
    triu = (ci < cj).astype(jnp.float32)
    run = jnp.zeros((e, 1), jnp.float32)
    partial = []
    for c in range(n // _CHUNK):
        oh = onehot[:, c * _CHUNK:(c + 1) * _CHUNK]
        cum_excl = jnp.dot(oh, triu, preferred_element_type=jnp.float32)
        rank_in = jnp.sum(cum_excl * oh, axis=0, keepdims=True)
        base = jnp.sum(run * oh, axis=0, keepdims=True)
        partial.append(rank_in + base)
        run = run + jnp.sum(oh, axis=1, keepdims=True)
    p_partial = jnp.concatenate(partial, axis=1)

    counts = run
    li = lax.broadcasted_iota(jnp.int32, (e, e), 0)
    lj = lax.broadcasted_iota(jnp.int32, (e, e), 1)
    tri_inc = (lj <= li).astype(jnp.float32)
    cum_counts = jnp.dot(tri_inc, counts, precision=lax.Precision.HIGHEST,
                         preferred_element_type=jnp.float32)
    offsets = cum_counts - counts

    offs_tok = jnp.sum(offsets * onehot, axis=0, keepdims=True)
    p_ref[...] = (p_partial + offs_tok).astype(jnp.int32)

    counts_i = counts.astype(jnp.int32)
    offsets_i = offsets.astype(jnp.int32)
    first_blk = offsets_i // _BLK
    last_blk = (offsets_i + counts_i - 1) // _BLK
    span = jnp.where(counts_i > 0, last_blk - first_blk + 1, 0)
    cumspan = jnp.dot(tri_inc, span.astype(jnp.float32),
                      precision=lax.Precision.HIGHEST,
                      preferred_element_type=jnp.float32).astype(jnp.int32)
    total = jnp.sum(span)

    vp = sched_ref.shape[1]
    v_row = lax.broadcasted_iota(jnp.int32, (1, vp), 1)
    valid = v_row < total
    e_raw = jnp.minimum(jnp.sum((cumspan <= v_row).astype(jnp.int32),
                                axis=0, keepdims=True), e - 1)
    e_last = jnp.minimum(jnp.sum((cumspan <= total - 1).astype(jnp.int32)), e - 1)
    e_v = jnp.where(valid, e_raw, e_last)

    sel = (e_v == lax.broadcasted_iota(jnp.int32, (e, vp), 0)).astype(jnp.int32)
    g_cumspan = jnp.sum(sel * cumspan, axis=0, keepdims=True)
    g_span = jnp.sum(sel * span, axis=0, keepdims=True)
    g_first = jnp.sum(sel * first_blk, axis=0, keepdims=True)
    g_off = jnp.sum(sel * offsets_i, axis=0, keepdims=True)
    g_cnt = jnp.sum(sel * counts_i, axis=0, keepdims=True)

    j = v_row - (g_cumspan - g_span)
    b_v = jnp.where(valid, g_first + j, t - 1)
    s_v = jnp.clip(g_off - b_v * _BLK, 0, _BLK)
    n_v = jnp.where(valid, jnp.clip(g_off + g_cnt - b_v * _BLK, 0, _BLK), 0)
    f_v = ((s_v == 0) & valid & (v_row < nv)).astype(jnp.int32)

    sched_ref[...] = jnp.concatenate(
        [e_v, b_v, s_v, n_v, f_v,
         jnp.zeros((3, vp), jnp.int32)], axis=0)


def _router(xf, W_gate):
    n = xf.shape[0]
    return pl.pallas_call(
        _router_body,
        out_shape=[
            jax.ShapeDtypeStruct((1, n), jnp.int32),
            jax.ShapeDtypeStruct((8, 128), jnp.int32),
        ],
    )(xf, W_gate)



def _sc_scatter(xf, pos):
    n, h = xf.shape
    rpw = n // _NW
    mesh = plsc.VectorSubcoreMesh(core_axis_name="c", subcore_axis_name="s")

    @functools.partial(
        pl.kernel,
        mesh=mesh,
        out_type=jax.ShapeDtypeStruct((n, h), jnp.float32),
        scratch_types=[
            pltpu.VMEM((rpw,), jnp.int32),
            pltpu.VMEM((rpw, h), jnp.float32),
            pltpu.SemaphoreType.DMA,
        ],
    )
    def k(x_hbm, idx_hbm, out_hbm, idx_v, rows_v, sem):
        wid = lax.axis_index("s") * _NC + lax.axis_index("c")
        base = wid * rpw
        pltpu.sync_copy(idx_hbm.at[pl.ds(base, rpw)], idx_v)
        pltpu.sync_copy(x_hbm.at[pl.ds(base, rpw)], rows_v)
        pltpu.async_copy(rows_v, out_hbm.at[idx_v], sem).wait()

    return k(xf, pos)


def _sc_gather(ys, pos):
    n, h = ys.shape
    rpw = n // _NW
    mesh = plsc.VectorSubcoreMesh(core_axis_name="c", subcore_axis_name="s")

    @functools.partial(
        pl.kernel,
        mesh=mesh,
        out_type=jax.ShapeDtypeStruct((n, h), jnp.float32),
        scratch_types=[
            pltpu.VMEM((rpw,), jnp.int32),
            pltpu.VMEM((rpw, h), jnp.float32),
            pltpu.SemaphoreType.DMA,
        ],
    )
    def k(y_hbm, idx_hbm, out_hbm, idx_v, rows_v, sem):
        wid = lax.axis_index("s") * _NC + lax.axis_index("c")
        base = wid * rpw
        pltpu.sync_copy(idx_hbm.at[pl.ds(base, rpw)], idx_v)
        pltpu.async_copy(y_hbm.at[idx_v], rows_v, sem).wait()
        pltpu.sync_copy(rows_v, out_hbm.at[pl.ds(base, rpw)])

    return k(ys, pos)



def _ffn_body(sched_ref, x_ref, g_ref, u_ref, d_ref, o_ref):
    v = pl.program_id(0)
    xb = x_ref[...]
    g = g_ref[0]
    u = u_ref[0]
    d = d_ref[0]
    hg = jnp.dot(xb, g, preferred_element_type=jnp.float32,
                 precision=lax.Precision.DEFAULT)
    hu = jnp.dot(xb, u, preferred_element_type=jnp.float32,
                 precision=lax.Precision.DEFAULT)
    h = (hg * lax.logistic(hg)) * hu
    y = jnp.dot(h, d, preferred_element_type=jnp.float32,
                precision=lax.Precision.DEFAULT)
    rid = lax.broadcasted_iota(jnp.int32, y.shape, 0)
    y = jnp.where((rid >= sched_ref[2, v]) & (rid < sched_ref[3, v]), y, 0.0)

    @pl.when(sched_ref[4, v] == 1)
    def _():
        o_ref[...] = y

    @pl.when(sched_ref[4, v] == 0)
    def _():
        o_ref[...] += y


def _grouped_ffn(x_sorted, gate_proj, up_proj, down_proj, sched, num_visits):
    n, h = x_sorted.shape
    inter = gate_proj.shape[2]
    grid_spec = pltpu.PrefetchScalarGridSpec(
        num_scalar_prefetch=1,
        grid=(num_visits,),
        in_specs=[
            pl.BlockSpec((_BLK, h), lambda v, S: (S[1, v], 0)),
            pl.BlockSpec((1, h, inter), lambda v, S: (S[0, v], 0, 0)),
            pl.BlockSpec((1, h, inter), lambda v, S: (S[0, v], 0, 0)),
            pl.BlockSpec((1, inter, h), lambda v, S: (S[0, v], 0, 0)),
        ],
        out_specs=pl.BlockSpec((_BLK, h), lambda v, S: (S[1, v], 0)),
    )
    return pl.pallas_call(
        _ffn_body,
        grid_spec=grid_spec,
        out_shape=jax.ShapeDtypeStruct((n, h), jnp.float32),
    )(sched, x_sorted, gate_proj, up_proj, down_proj)



def kernel(x, W_gate, gate_proj, up_proj, down_proj):
    bsz, seq, h = x.shape
    n = bsz * seq
    nv = n // _BLK + _E - 1
    xf = x.reshape(n, h)

    p_row, sched = _router(xf, W_gate)
    pos = p_row.reshape(n)

    x_sorted = _sc_scatter(xf, pos)
    y_sorted = _grouped_ffn(x_sorted, gate_proj, up_proj, down_proj, sched, nv)
    out = _sc_gather(y_sorted, pos)
    return out.reshape(bsz, seq, h)

# --- scband reference (transcript-rebuilt; emitter-appended) ---
"""Pipeline reference for scband-moe-36739150250509 (READ-ONLY COPY).

The authoritative reference and input builder live on the scoring server;
editing this copy changes nothing except your own understanding.
"""

import jax, jax.numpy as jnp
import numpy as np

NUM_EXPERTS = 64
TOP_K = 1
HIDDEN = 1024
INTER = 1024
NORM_TOPK = True
BSZ, SEQ = 1, 2048


def setup_inputs(seed: int = 0) -> dict:
    key = jax.random.key(seed)
    ks = jax.random.split(key, 5)
    x = jax.random.normal(ks[0], (BSZ, SEQ, HIDDEN), dtype=jnp.float32)
    W_gate = jax.random.normal(ks[1], (HIDDEN, NUM_EXPERTS), dtype=jnp.float32) * 0.02
    gate_proj = jax.random.normal(ks[2], (NUM_EXPERTS, HIDDEN, INTER), dtype=jnp.float32) * 0.02
    up_proj = jax.random.normal(ks[3], (NUM_EXPERTS, HIDDEN, INTER), dtype=jnp.float32) * 0.02
    down_proj = jax.random.normal(ks[4], (NUM_EXPERTS, INTER, HIDDEN), dtype=jnp.float32) * 0.02
    return {"x": x, "W_gate": W_gate, "gate_proj": gate_proj, "up_proj": up_proj, "down_proj": down_proj}


def reference(x, W_gate, gate_proj, up_proj, down_proj):
    bsz, seq, H = x.shape
    N = bsz * seq
    # Router
    logits = x @ W_gate
    probs = jax.nn.softmax(logits, axis=-1)
    top_k_probs, top_k_indices = jax.lax.top_k(probs, TOP_K)
    routing_map = jnp.sum(jax.nn.one_hot(top_k_indices, NUM_EXPERTS, dtype=jnp.int32), axis=-2) > 0
    if NORM_TOPK:
        probs = probs / jnp.sum(top_k_probs, axis=-1, keepdims=True)
    flat_probs = probs.reshape(-1, NUM_EXPERTS).T
    flat_x = x.reshape(-1, H)
    flat_map = routing_map.reshape(-1, NUM_EXPERTS).T
    weights = jnp.where(flat_map, flat_probs, jnp.zeros_like(flat_probs))

    def body(acc, inputs):
        g, u, d, w = inputs
        h = jax.nn.silu(flat_x @ g) * (flat_x @ u)
        ffn = (h @ d) * w[:, None]
        return acc + ffn, None

    output, _ = jax.lax.scan(
        body,
        jnp.zeros((N, H), dtype=x.dtype),
        (gate_proj, up_proj, down_proj, weights),
    )
    return output.reshape(bsz, seq, H)

if __name__ == "__main__":
    import jax
    _d = setup_inputs()
    print(jax.jit(kernel)(*tuple(_d.values())))

</pallas_src>

<mosaic_0001>
#map = affine_map<(d0, d1) -> (0, 0)>
#map1 = affine_map<(d0, d1) -> (0)>
module attributes {stable_mosaic.version = 14 : i64} {
  func.func @k(%arg0: i32, %arg1: i32, %arg2: memref<2048x1024xf32, #tpu.memory_space<hbm>>, %arg3: memref<2048xi32, #tpu.memory_space<hbm>>, %arg4: memref<2048x1024xf32, #tpu.memory_space<hbm>>, %arg5: memref<64xi32, #tpu.memory_space<vmem>>, %arg6: memref<64x1024xf32, #tpu.memory_space<vmem>>, %arg7: memref<!tpu.dma_semaphore, #tpu.memory_space<semaphore_mem>>) attributes {dimension_semantics = [#tpu.dimension_semantics<core_parallel>, #tpu.dimension_semantics<subcore_parallel>], iteration_bounds = array<i64: 2, 16>, scalar_prefetch = 0 : i64, scratch_operands = 3 : i64, tpu.core_type = #tpu.core_type<sc_vector_subcore>, window_params = [{transform_indices = #map}, {transform_indices = #map1}, {transform_indices = #map}]} {
    %mul3A = arith.constant 2 : i32
    %mul3A_0 = arith.muli %arg1, %mul3A : i32
    %add3A = arith.addi %mul3A_0, %arg0 : i32
    %mul3A_1 = arith.constant 64 : i32
    %mul3A_2 = arith.muli %add3A, %mul3A_1 : i32
    "tpu.region"() ({
      %run_scoped3A = tpu.sem_alloc : memref<!tpu.dma_semaphore, #tpu.memory_space<semaphore_mem>>
      %dma_start3A_7 = tpu.memref_slice %arg3[%mul3A_2] : memref<2048xi32, #tpu.memory_space<hbm>> -> memref<64xi32, #tpu.memory_space<hbm>>
      %dma_start3A_8 = tpu.memref_slice %arg3[%mul3A_2] : memref<2048xi32, #tpu.memory_space<hbm>> -> memref<64xi32, #tpu.memory_space<hbm>>
      tpu.enqueue_dma source(%dma_start3A_8 : memref<64xi32, #tpu.memory_space<hbm>>) target(%arg5 : memref<64xi32, #tpu.memory_space<vmem>>) target_semaphore(%run_scoped3A : memref<!tpu.dma_semaphore, #tpu.memory_space<semaphore_mem>>)
      %dma_wait3A_9 = tpu.memref_slice %arg3[%mul3A_2] : memref<2048xi32, #tpu.memory_space<hbm>> -> memref<64xi32, #tpu.memory_space<hbm>>
      %dma_wait3A_10 = tpu.memref_slice %arg3[%mul3A_2] : memref<2048xi32, #tpu.memory_space<hbm>> -> memref<64xi32, #tpu.memory_space<hbm>>
      tpu.wait_dma2 semaphore(%run_scoped3A : memref<!tpu.dma_semaphore, #tpu.memory_space<semaphore_mem>>) src(%dma_wait3A_10 : memref<64xi32, #tpu.memory_space<hbm>>) dst(%arg5 : memref<64xi32, #tpu.memory_space<vmem>>)
      tpu.yield
    }) : () -> ()
    "tpu.region"() ({
      %run_scoped3A = tpu.sem_alloc : memref<!tpu.dma_semaphore, #tpu.memory_space<semaphore_mem>>
      %dma_start3A_7 = arith.constant 0 : i32
      %dma_start3A_8 = tpu.memref_slice %arg2[%mul3A_2, %dma_start3A_7] : memref<2048x1024xf32, #tpu.memory_space<hbm>> -> memref<64x1024xf32, #tpu.memory_space<hbm>>
      %dma_start3A_9 = arith.constant 0 : i32
      %dma_start3A_10 = tpu.memref_slice %arg2[%mul3A_2, %dma_start3A_9] : memref<2048x1024xf32, #tpu.memory_space<hbm>> -> memref<64x1024xf32, #tpu.memory_space<hbm>>
      tpu.enqueue_dma source(%dma_start3A_10 : memref<64x1024xf32, #tpu.memory_space<hbm>>) target(%arg6 : memref<64x1024xf32, #tpu.memory_space<vmem>>) target_semaphore(%run_scoped3A : memref<!tpu.dma_semaphore, #tpu.memory_space<semaphore_mem>>)
      %dma_wait3A_11 = arith.constant 0 : i32
      %dma_wait3A_12 = tpu.memref_slice %arg2[%mul3A_2, %dma_wait3A_11] : memref<2048x1024xf32, #tpu.memory_space<hbm>> -> memref<64x1024xf32, #tpu.memory_space<hbm>>
      %dma_wait3A_13 = arith.constant 0 : i32
      %dma_wait3A_14 = tpu.memref_slice %arg2[%mul3A_2, %dma_wait3A_13] : memref<2048x1024xf32, #tpu.memory_space<hbm>> -> memref<64x1024xf32, #tpu.memory_space<hbm>>
      tpu.wait_dma2 semaphore(%run_scoped3A : memref<!tpu.dma_semaphore, #tpu.memory_space<semaphore_mem>>) src(%dma_wait3A_14 : memref<64x1024xf32, #tpu.memory_space<hbm>>) dst(%arg6 : memref<64x1024xf32, #tpu.memory_space<vmem>>)
      tpu.yield
    }) : () -> ()
    %dma_start3A = arith.constant 0 : i32
    %dma_start3A_3 = arith.constant 0 : i32
    %dma_start3A_4 = tpu.memref_slice %arg4[%dma_start3A, %dma_start3A_3] : memref<2048x1024xf32, #tpu.memory_space<hbm>> -> memref<2048x1024xf32, #tpu.memory_space<hbm>>
    tpu.enqueue_indirect_dma source(%arg6 : memref<64x1024xf32, #tpu.memory_space<vmem>>) target(%dma_start3A_4 : memref<2048x1024xf32, #tpu.memory_space<hbm>>) offsets(%arg5 : memref<64xi32, #tpu.memory_space<vmem>>) semaphore(%arg7 : memref<!tpu.dma_semaphore, #tpu.memory_space<semaphore_mem>>)
    %dma_wait3A = arith.constant 0 : i32
    %dma_wait3A_5 = arith.constant 0 : i32
    %dma_wait3A_6 = tpu.memref_slice %arg4[%dma_wait3A, %dma_wait3A_5] : memref<2048x1024xf32, #tpu.memory_space<hbm>> -> memref<2048x1024xf32, #tpu.memory_space<hbm>>
    tpu.wait_indirect_dma semaphore(%arg7 : memref<!tpu.dma_semaphore, #tpu.memory_space<semaphore_mem>>) src(%arg6 : memref<64x1024xf32, #tpu.memory_space<vmem>>) dst(%dma_wait3A_6 : memref<2048x1024xf32, #tpu.memory_space<hbm>>)
    return
  }
}

#map = affine_map<(d0, d1) -> (0, 0)>
#map1 = affine_map<(d0, d1) -> (0)>
module attributes {stable_mosaic.version = 14 : i64} {
  func.func @k(%arg0: i32, %arg1: i32, %arg2: memref<2048x1024xf32, #tpu.memory_space<hbm>>, %arg3: memref<2048xi32, #tpu.memory_space<hbm>>, %arg4: memref<2048x1024xf32, #tpu.memory_space<hbm>>, %arg5: memref<64xi32, #tpu.memory_space<vmem>>, %arg6: memref<64x1024xf32, #tpu.memory_space<vmem>>, %arg7: memref<!tpu.dma_semaphore, #tpu.memory_space<semaphore_mem>>) attributes {dimension_semantics = [#tpu.dimension_semantics<core_parallel>, #tpu.dimension_semantics<subcore_parallel>], iteration_bounds = array<i64: 2, 16>, scalar_prefetch = 0 : i64, scratch_operands = 3 : i64, tpu.core_type = #tpu.core_type<sc_vector_subcore>, window_params = [{transform_indices = #map}, {transform_indices = #map1}, {transform_indices = #map}]} {
    %mul3A = arith.constant 2 : i32
    %mul3A_0 = arith.muli %arg1, %mul3A : i32
    %add3A = arith.addi %mul3A_0, %arg0 : i32
    %mul3A_1 = arith.constant 64 : i32
    %mul3A_2 = arith.muli %add3A, %mul3A_1 : i32
    "tpu.region"() ({
      %run_scoped3A = tpu.sem_alloc : memref<!tpu.dma_semaphore, #tpu.memory_space<semaphore_mem>>
      %dma_start3A_7 = tpu.memref_slice %arg3[%mul3A_2] : memref<2048xi32, #tpu.memory_space<hbm>> -> memref<64xi32, #tpu.memory_space<hbm>>
      %dma_start3A_8 = tpu.memref_slice %arg3[%mul3A_2] : memref<2048xi32, #tpu.memory_space<hbm>> -> memref<64xi32, #tpu.memory_space<hbm>>
      tpu.enqueue_dma source(%dma_start3A_8 : memref<64xi32, #tpu.memory_space<hbm>>) target(%arg5 : memref<64xi32, #tpu.memory_space<vmem>>) target_semaphore(%run_scoped3A : memref<!tpu.dma_semaphore, #tpu.memory_space<semaphore_mem>>)
      %dma_wait3A_9 = tpu.memref_slice %arg3[%mul3A_2] : memref<2048xi32, #tpu.memory_space<hbm>> -> memref<64xi32, #tpu.memory_space<hbm>>
      %dma_wait3A_10 = tpu.memref_slice %arg3[%mul3A_2] : memref<2048xi32, #tpu.memory_space<hbm>> -> memref<64xi32, #tpu.memory_space<hbm>>
      tpu.wait_dma2 semaphore(%run_scoped3A : memref<!tpu.dma_semaphore, #tpu.memory_space<semaphore_mem>>) src(%dma_wait3A_10 : memref<64xi32, #tpu.memory_space<hbm>>) dst(%arg5 : memref<64xi32, #tpu.memory_space<vmem>>)
      tpu.yield
    }) : () -> ()
    %dma_start3A = arith.constant 0 : i32
    %dma_start3A_3 = arith.constant 0 : i32
    %dma_start3A_4 = tpu.memref_slice %arg2[%dma_start3A, %dma_start3A_3] : memref<2048x1024xf32, #tpu.memory_space<hbm>> -> memref<2048x1024xf32, #tpu.memory_space<hbm>>
    tpu.enqueue_indirect_dma source(%dma_start3A_4 : memref<2048x1024xf32, #tpu.memory_space<hbm>>) target(%arg6 : memref<64x1024xf32, #tpu.memory_space<vmem>>) offsets(%arg5 : memref<64xi32, #tpu.memory_space<vmem>>) semaphore(%arg7 : memref<!tpu.dma_semaphore, #tpu.memory_space<semaphore_mem>>)
    %dma_wait3A = arith.constant 0 : i32
    %dma_wait3A_5 = arith.constant 0 : i32
    %dma_wait3A_6 = tpu.memref_slice %arg2[%dma_wait3A, %dma_wait3A_5] : memref<2048x1024xf32, #tpu.memory_space<hbm>> -> memref<2048x1024xf32, #tpu.memory_space<hbm>>
    tpu.wait_indirect_dma semaphore(%arg7 : memref<!tpu.dma_semaphore, #tpu.memory_space<semaphore_mem>>) src(%dma_wait3A_6 : memref<2048x1024xf32, #tpu.memory_space<hbm>>) dst(%arg6 : memref<64x1024xf32, #tpu.memory_space<vmem>>)
    "tpu.region"() ({
      %run_scoped3A = tpu.sem_alloc : memref<!tpu.dma_semaphore, #tpu.memory_space<semaphore_mem>>
      %dma_start3A_7 = arith.constant 0 : i32
      %dma_start3A_8 = tpu.memref_slice %arg4[%mul3A_2, %dma_start3A_7] : memref<2048x1024xf32, #tpu.memory_space<hbm>> -> memref<64x1024xf32, #tpu.memory_space<hbm>>
      %dma_start3A_9 = arith.constant 0 : i32
      %dma_start3A_10 = tpu.memref_slice %arg4[%mul3A_2, %dma_start3A_9] : memref<2048x1024xf32, #tpu.memory_space<hbm>> -> memref<64x1024xf32, #tpu.memory_space<hbm>>
      tpu.enqueue_dma source(%arg6 : memref<64x1024xf32, #tpu.memory_space<vmem>>) target(%dma_start3A_10 : memref<64x1024xf32, #tpu.memory_space<hbm>>) target_semaphore(%run_scoped3A : memref<!tpu.dma_semaphore, #tpu.memory_space<semaphore_mem>>)
      %dma_wait3A_11 = arith.constant 0 : i32
      %dma_wait3A_12 = tpu.memref_slice %arg4[%mul3A_2, %dma_wait3A_11] : memref<2048x1024xf32, #tpu.memory_space<hbm>> -> memref<64x1024xf32, #tpu.memory_space<hbm>>
      %dma_wait3A_13 = arith.constant 0 : i32
      %dma_wait3A_14 = tpu.memref_slice %arg4[%mul3A_2, %dma_wait3A_13] : memref<2048x1024xf32, #tpu.memory_space<hbm>> -> memref<64x1024xf32, #tpu.memory_space<hbm>>
      tpu.wait_dma2 semaphore(%run_scoped3A : memref<!tpu.dma_semaphore, #tpu.memory_space<semaphore_mem>>) src(%arg6 : memref<64x1024xf32, #tpu.memory_space<vmem>>) dst(%dma_wait3A_14 : memref<64x1024xf32, #tpu.memory_space<hbm>>)
      tpu.yield
    }) : () -> ()
    return
  }
}

module attributes {stable_mosaic.version = 14 : i64} {
  func.func @_ffn_body(%arg0: i32, %arg1: memref<8x128xi32, #tpu.memory_space<smem>>, %arg2: memref<256x1024xf32, #tpu.memory_space<vmem>>, %arg3: memref<1x1024x1024xf32, #tpu.memory_space<vmem>>, %arg4: memref<1x1024x1024xf32, #tpu.memory_space<vmem>>, %arg5: memref<1x1024x1024xf32, #tpu.memory_space<vmem>>, %arg6: memref<256x1024xf32, #tpu.memory_space<vmem>>) attributes {dimension_semantics = [#tpu.dimension_semantics<arbitrary>], iteration_bounds = array<i64: 71>, scalar_prefetch = 1 : i64, scratch_operands = 0 : i64, tpu.core_type = #tpu.core_type<tc>, window_params = [{transform_indices = @transform_0, window_bounds = array<i64: 256, 1024>}, {transform_indices = @transform_1, window_bounds = array<i64: 1, 1024, 1024>}, {transform_indices = @transform_2, window_bounds = array<i64: 1, 1024, 1024>}, {transform_indices = @transform_3, window_bounds = array<i64: 1, 1024, 1024>}, {transform_indices = @transform_4, window_bounds = array<i64: 256, 1024>}]} {
    %get3A = arith.constant 0 : index
    %get3A_0 = arith.constant 0 : index
    %get3A_1 = vector.load %arg2[%get3A, %get3A_0] : memref<256x1024xf32, #tpu.memory_space<vmem>>, vector<256x1024xf32>
    %get3A_2 = arith.constant 0 : index
    %get3A_3 = arith.constant 0 : index
    %get3A_4 = arith.constant 0 : index
    %get3A_5 = vector.load %arg3[%get3A_2, %get3A_3, %get3A_4] : memref<1x1024x1024xf32, #tpu.memory_space<vmem>>, vector<1x1024x1024xf32>
    %get3A_6 = vector.shape_cast %get3A_5 : vector<1x1024x1024xf32> to vector<1024x1024xf32>
    %get3A_7 = arith.constant 0 : index
    %get3A_8 = arith.constant 0 : index
    %get3A_9 = arith.constant 0 : index
    %get3A_10 = vector.load %arg4[%get3A_7, %get3A_8, %get3A_9] : memref<1x1024x1024xf32, #tpu.memory_space<vmem>>, vector<1x1024x1024xf32>
    %get3A_11 = vector.shape_cast %get3A_10 : vector<1x1024x1024xf32> to vector<1024x1024xf32>
    %get3A_12 = arith.constant 0 : index
    %get3A_13 = arith.constant 0 : index
    %get3A_14 = arith.constant 0 : index
    %get3A_15 = vector.load %arg5[%get3A_12, %get3A_13, %get3A_14] : memref<1x1024x1024xf32, #tpu.memory_space<vmem>>, vector<1x1024x1024xf32>
    %get3A_16 = vector.shape_cast %get3A_15 : vector<1x1024x1024xf32> to vector<1024x1024xf32>
    %dot_general3A = arith.constant dense<0.000000e+00> : vector<256x1024xf32>
    %dot_general3A_17 = tpu.matmul %get3A_1, %get3A_6, %dot_general3A {dimension_numbers = #tpu.dot_dimension_numbers<[1], [0], [0], [1], [0, 0, 1, 1], [], []>, transpose_lhs_hint = false} : vector<256x1024xf32>, vector<1024x1024xf32>, vector<256x1024xf32> -> vector<256x1024xf32>
    %dot_general3A_18 = arith.constant dense<0.000000e+00> : vector<256x1024xf32>
    %dot_general3A_19 = tpu.matmul %get3A_1, %get3A_11, %dot_general3A_18 {dimension_numbers = #tpu.dot_dimension_numbers<[1], [0], [0], [1], [0, 0, 1, 1], [], []>, transpose_lhs_hint = false} : vector<256x1024xf32>, vector<1024x1024xf32>, vector<256x1024xf32> -> vector<256x1024xf32>
    %logistic3A = arith.negf %dot_general3A_17 : vector<256x1024xf32>
    %logistic3A_20 = math.exp %logistic3A : vector<256x1024xf32>
    %logistic3A_21 = arith.constant 1.000000e+00 : f32
    %logistic3A_22 = vector.broadcast %logistic3A_21 : f32 to vector<256x1024xf32>
    %logistic3A_23 = arith.addf %logistic3A_22, %logistic3A_20 : vector<256x1024xf32>
    %logistic3A_24 = arith.divf %logistic3A_22, %logistic3A_23 : vector<256x1024xf32>
    %mul3A = arith.mulf %dot_general3A_17, %logistic3A_24 : vector<256x1024xf32>
    %mul3A_25 = arith.mulf %mul3A, %dot_general3A_19 : vector<256x1024xf32>
    %dot_general3A_26 = arith.constant dense<0.000000e+00> : vector<256x1024xf32>
    %dot_general3A_27 = tpu.matmul %mul3A_25, %get3A_16, %dot_general3A_26 {dimension_numbers = #tpu.dot_dimension_numbers<[1], [0], [0], [1], [0, 0, 1, 1], [], []>, transpose_lhs_hint = false} : vector<256x1024xf32>, vector<1024x1024xf32>, vector<256x1024xf32> -> vector<256x1024xf32>
    %iota3A = tpu.iota {dimensions = array<i32: 0>} : vector<256x1024xi32>
    %get3A_28 = arith.constant 2 : index
    %get3A_29 = arith.index_cast %arg0 : i32 to index
    %get3A_30 = memref.load %arg1[%get3A_28, %get3A_29] : memref<8x128xi32, #tpu.memory_space<smem>>
    %ge3A = vector.broadcast %get3A_30 : i32 to vector<256x1024xi32>
    %ge3A_31 = arith.cmpi sge, %iota3A, %ge3A : vector<256x1024xi32>
    %get3A_32 = arith.constant 3 : index
    %get3A_33 = arith.index_cast %arg0 : i32 to index
    %get3A_34 = memref.load %arg1[%get3A_32, %get3A_33] : memref<8x128xi32, #tpu.memory_space<smem>>
    %lt3A = vector.broadcast %get3A_34 : i32 to vector<256x1024xi32>
    %lt3A_35 = arith.cmpi slt, %iota3A, %lt3A : vector<256x1024xi32>
    %and3A = arith.andi %ge3A_31, %lt3A_35 : vector<256x1024xi1>
    %jit3A = arith.constant 0.000000e+00 : f32
    %broadcast_in_dim3A = vector.broadcast %jit3A : f32 to vector<256x1024xf32>
    %select_n3A = arith.select %and3A, %dot_general3A_27, %broadcast_in_dim3A : vector<256x1024xi1>, vector<256x1024xf32>
    %get3A_36 = arith.constant 4 : index
    %get3A_37 = arith.index_cast %arg0 : i32 to index
    %get3A_38 = memref.load %arg1[%get3A_36, %get3A_37] : memref<8x128xi32, #tpu.memory_space<smem>>
    %eq3A = arith.constant 1 : i32
    %eq3A_39 = arith.cmpi eq, %get3A_38, %eq3A : i32
    %convert_element_type3A = arith.extui %eq3A_39 : i1 to i32
    %cond3A = arith.constant 0 : i32
    %cond3A_40 = arith.cmpi ne, %convert_element_type3A, %cond3A : i32
    scf.if %cond3A_40 {
      %swap3A = arith.constant 0 : index
      %swap3A_49 = arith.constant 0 : index
      %swap3A_50 = vector.load %arg6[%swap3A, %swap3A_49] : memref<256x1024xf32, #tpu.memory_space<vmem>>, vector<256x1024xf32>
      tpu.vector_store %arg6[%swap3A, %swap3A_49], %select_n3A {strides = array<i32>} : memref<256x1024xf32, #tpu.memory_space<vmem>>, vector<256x1024xf32>,
    } else {
    }
    %get3A_41 = arith.constant 4 : index
    %get3A_42 = arith.index_cast %arg0 : i32 to index
    %get3A_43 = memref.load %arg1[%get3A_41, %get3A_42] : memref<8x128xi32, #tpu.memory_space<smem>>
    %eq3A_44 = arith.constant 0 : i32
    %eq3A_45 = arith.cmpi eq, %get3A_43, %eq3A_44 : i32
    %convert_element_type3A_46 = arith.extui %eq3A_45 : i1 to i32
    %cond3A_47 = arith.constant 0 : i32
    %cond3A_48 = arith.cmpi ne, %convert_element_type3A_46, %cond3A_47 : i32
    scf.if %cond3A_48 {
      %get3A_49 = arith.constant 0 : index
      %get3A_50 = arith.constant 0 : index
      %get3A_51 = vector.load %arg6[%get3A_49, %get3A_50] : memref<256x1024xf32, #tpu.memory_space<vmem>>, vector<256x1024xf32>
      %add3A = arith.addf %get3A_51, %select_n3A : vector<256x1024xf32>
      %swap3A = arith.constant 0 : index
      %swap3A_52 = arith.constant 0 : index
      %swap3A_53 = vector.load %arg6[%swap3A, %swap3A_52] : memref<256x1024xf32, #tpu.memory_space<vmem>>, vector<256x1024xf32>
      tpu.vector_store %arg6[%swap3A, %swap3A_52], %add3A {strides = array<i32>} : memref<256x1024xf32, #tpu.memory_space<vmem>>, vector<256x1024xf32>,
    } else {
    }
    return
  }
  func.func @transform_0(%arg0: i32, %arg1: memref<8x128xi32, #tpu.memory_space<smem>>) -> (i32, i32) {
    %get3A = arith.constant 1 : index
    %get3A_0 = arith.index_cast %arg0 : i32 to index
    %get3A_1 = memref.load %arg1[%get3A, %get3A_0] : memref<8x128xi32, #tpu.memory_space<smem>>
    %c0_i32 = arith.constant 0 : i32
    %c0_i32_2 = arith.constant 0 : i32
    return %get3A_1, %c0_i32 : i32, i32
  }
  func.func @transform_1(%arg0: i32, %arg1: memref<8x128xi32, #tpu.memory_space<smem>>) -> (i32, i32, i32) {
    %get3A = arith.constant 0 : index
    %get3A_0 = arith.index_cast %arg0 : i32 to index
    %get3A_1 = memref.load %arg1[%get3A, %get3A_0] : memref<8x128xi32, #tpu.memory_space<smem>>
    %c0_i32 = arith.constant 0 : i32
    %c0_i32_2 = arith.constant 0 : i32
    %c0_i32_3 = arith.constant 0 : i32
    return %get3A_1, %c0_i32, %c0_i32_2 : i32, i32, i32
  }
  func.func @transform_2(%arg0: i32, %arg1: memref<8x128xi32, #tpu.memory_space<smem>>) -> (i32, i32, i32) {
    %get3A = arith.constant 0 : index
    %get3A_0 = arith.index_cast %arg0 : i32 to index
    %get3A_1 = memref.load %arg1[%get3A, %get3A_0] : memref<8x128xi32, #tpu.memory_space<smem>>
    %c0_i32 = arith.constant 0 : i32
    %c0_i32_2 = arith.constant 0 : i32
    %c0_i32_3 = arith.constant 0 : i32
    return %get3A_1, %c0_i32, %c0_i32_2 : i32, i32, i32
  }
  func.func @transform_3(%arg0: i32, %arg1: memref<8x128xi32, #tpu.memory_space<smem>>) -> (i32, i32, i32) {
    %get3A = arith.constant 0 : index
    %get3A_0 = arith.index_cast %arg0 : i32 to index
    %get3A_1 = memref.load %arg1[%get3A, %get3A_0] : memref<8x128xi32, #tpu.memory_space<smem>>
    %c0_i32 = arith.constant 0 : i32
    %c0_i32_2 = arith.constant 0 : i32
    %c0_i32_3 = arith.constant 0 : i32
    return %get3A_1, %c0_i32, %c0_i32_2 : i32, i32, i32
  }
  func.func @transform_4(%arg0: i32, %arg1: memref<8x128xi32, #tpu.memory_space<smem>>) -> (i32, i32) {
    %get3A = arith.constant 1 : index
    %get3A_0 = arith.index_cast %arg0 : i32 to index
    %get3A_1 = memref.load %arg1[%get3A, %get3A_0] : memref<8x128xi32, #tpu.memory_space<smem>>
    %c0_i32 = arith.constant 0 : i32
    %c0_i32_2 = arith.constant 0 : i32
    return %get3A_1, %c0_i32 : i32, i32
  }
}

module attributes {stable_mosaic.version = 14 : i64} {
  func.func @_router_body(%arg0: memref<2048x1024xf32, #tpu.memory_space<vmem>>, %arg1: memref<1024x64xf32, #tpu.memory_space<vmem>>, %arg2: memref<1x2048xi32, #tpu.memory_space<vmem>>, %arg3: memref<8x128xi32, #tpu.memory_space<vmem>>) attributes {dimension_semantics = [], scalar_prefetch = 0 : i64, scratch_operands = 0 : i64, tpu.core_type = #tpu.core_type<tc>} {
    %get3A = arith.constant 0 : index
    %get3A_0 = arith.constant 0 : index
    %get3A_1 = vector.load %arg1[%get3A, %get3A_0] : memref<1024x64xf32, #tpu.memory_space<vmem>>, vector<1024x64xf32>
    %get3A_2 = arith.constant 0 : index
    %get3A_3 = arith.constant 0 : index
    %get3A_4 = vector.load %arg0[%get3A_2, %get3A_3] : memref<2048x1024xf32, #tpu.memory_space<vmem>>, vector<2048x1024xf32>
    %dot_general3A = arith.constant dense<0.000000e+00> : vector<64x2048xf32>
    %dot_general3A_5 = tpu.matmul %get3A_1, %get3A_4, %dot_general3A {dimension_numbers = #tpu.dot_dimension_numbers<[0], [1], [1], [0], [0, 1, 1, 0], [], []>, transpose_lhs_hint = false} : vector<1024x64xf32>, vector<2048x1024xf32>, vector<64x2048xf32> -> vector<64x2048xf32>
    %reduce_max3A = arith.constant dense<0xFF800000> : vector<2048xf32>
    %reduce_max3A_6 = vector.multi_reduction <maximumf>, %dot_general3A_5, %reduce_max3A [0] : vector<64x2048xf32> to vector<2048xf32>
    %broadcast_in_dim3A = vector.shape_cast %reduce_max3A_6 : vector<2048xf32> to vector<1x2048xf32>
    %iota3A = tpu.iota {dimensions = array<i32: 0>} : vector<64x2048xi32>
    %ge3A = vector.broadcast %broadcast_in_dim3A : vector<1x2048xf32> to vector<64x2048xf32>
    %ge3A_7 = arith.cmpf oge, %dot_general3A_5, %ge3A : vector<64x2048xf32>
    %jit3A = arith.constant 64 : i32
    %broadcast_in_dim3A_8 = vector.broadcast %jit3A : i32 to vector<64x2048xi32>
    %select_n3A = arith.select %ge3A_7, %iota3A, %broadcast_in_dim3A_8 : vector<64x2048xi1>, vector<64x2048xi32>
    %reduce_min3A = arith.constant dense<2147483647> : vector<2048xi32>
    %reduce_min3A_9 = vector.multi_reduction <minsi>, %select_n3A, %reduce_min3A [0] : vector<64x2048xi32> to vector<2048xi32>
    %broadcast_in_dim3A_10 = vector.shape_cast %reduce_min3A_9 : vector<2048xi32> to vector<1x2048xi32>
    %iota3A_11 = tpu.iota {dimensions = array<i32: 0>} : vector<64x2048xi32>
    %eq3A = vector.broadcast %broadcast_in_dim3A_10 : vector<1x2048xi32> to vector<64x2048xi32>
    %eq3A_12 = arith.cmpi eq, %eq3A, %iota3A_11 : vector<64x2048xi32>
    %convert_element_type3A = arith.extui %eq3A_12 : vector<64x2048xi1> to vector<64x2048xi32>
    %convert_element_type3A_13 = arith.sitofp %convert_element_type3A : vector<64x2048xi32> to vector<64x2048xf32>
    %iota3A_14 = tpu.iota {dimensions = array<i32: 0>} : vector<128x128xi32>
    %iota3A_15 = tpu.iota {dimensions = array<i32: 1>} : vector<128x128xi32>
    %lt3A = arith.cmpi slt, %iota3A_14, %iota3A_15 : vector<128x128xi32>
    %convert_element_type3A_16 = arith.extui %lt3A : vector<128x128xi1> to vector<128x128xi32>
    %convert_element_type3A_17 = arith.sitofp %convert_element_type3A_16 : vector<128x128xi32> to vector<128x128xf32>
    %broadcast_in_dim3A_18 = arith.constant 0.000000e+00 : f32
    %broadcast_in_dim3A_19 = vector.broadcast %broadcast_in_dim3A_18 : f32 to vector<64x1xf32>
    %slice3A = vector.extract_strided_slice %convert_element_type3A_13 {offsets = [0, 0], sizes = [64, 128], strides = [1, 1]} : vector<64x2048xf32> to vector<64x128xf32>
    %dot_general3A_20 = arith.constant dense<0.000000e+00> : vector<64x128xf32>
    %dot_general3A_21 = tpu.matmul %slice3A, %convert_element_type3A_17, %dot_general3A_20 {dimension_numbers = #tpu.dot_dimension_numbers<[1], [0], [0], [1], [0, 0, 1, 1], [], []>, transpose_lhs_hint = false} : vector<64x128xf32>, vector<128x128xf32>, vector<64x128xf32> -> vector<64x128xf32>
    %mul3A = arith.mulf %dot_general3A_21, %slice3A : vector<64x128xf32>
    %reduce_sum3A = arith.constant dense<0.000000e+00> : vector<128xf32>
    %reduce_sum3A_22 = vector.multi_reduction <add>, %mul3A, %reduce_sum3A [0] : vector<64x128xf32> to vector<128xf32>
    %broadcast_in_dim3A_23 = vector.shape_cast %reduce_sum3A_22 : vector<128xf32> to vector<1x128xf32>
    %mul3A_24 = vector.broadcast %broadcast_in_dim3A_19 : vector<64x1xf32> to vector<64x128xf32>
    %mul3A_25 = arith.mulf %mul3A_24, %slice3A : vector<64x128xf32>
    %reduce_sum3A_26 = arith.constant dense<0.000000e+00> : vector<128xf32>
    %reduce_sum3A_27 = vector.multi_reduction <add>, %mul3A_25, %reduce_sum3A_26 [0] : vector<64x128xf32> to vector<128xf32>
    %broadcast_in_dim3A_28 = vector.shape_cast %reduce_sum3A_27 : vector<128xf32> to vector<1x128xf32>
    %add3A = arith.addf %broadcast_in_dim3A_23, %broadcast_in_dim3A_28 : vector<1x128xf32>
    %reduce_sum3A_29 = arith.constant dense<0.000000e+00> : vector<64xf32>
    %reduce_sum3A_30 = vector.multi_reduction <add>, %slice3A, %reduce_sum3A_29 [1] : vector<64x128xf32> to vector<64xf32>
    %broadcast_in_dim3A_31 = vector.shape_cast %reduce_sum3A_30 : vector<64xf32> to vector<64x1xf32>
    %add3A_32 = arith.addf %broadcast_in_dim3A_19, %broadcast_in_dim3A_31 : vector<64x1xf32>
    %slice3A_33 = vector.extract_strided_slice %convert_element_type3A_13 {offsets = [0, 128], sizes = [64, 128], strides = [1, 1]} : vector<64x2048xf32> to vector<64x128xf32>
    %dot_general3A_34 = arith.constant dense<0.000000e+00> : vector<64x128xf32>
    %dot_general3A_35 = tpu.matmul %slice3A_33, %convert_element_type3A_17, %dot_general3A_34 {dimension_numbers = #tpu.dot_dimension_numbers<[1], [0], [0], [1], [0, 0, 1, 1], [], []>, transpose_lhs_hint = false} : vector<64x128xf32>, vector<128x128xf32>, vector<64x128xf32> -> vector<64x128xf32>
    %mul3A_36 = arith.mulf %dot_general3A_35, %slice3A_33 : vector<64x128xf32>
    %reduce_sum3A_37 = arith.constant dense<0.000000e+00> : vector<128xf32>
    %reduce_sum3A_38 = vector.multi_reduction <add>, %mul3A_36, %reduce_sum3A_37 [0] : vector<64x128xf32> to vector<128xf32>
    %broadcast_in_dim3A_39 = vector.shape_cast %reduce_sum3A_38 : vector<128xf32> to vector<1x128xf32>
    %mul3A_40 = vector.broadcast %add3A_32 : vector<64x1xf32> to vector<64x128xf32>
    %mul3A_41 = arith.mulf %mul3A_40, %slice3A_33 : vector<64x128xf32>
    %reduce_sum3A_42 = arith.constant dense<0.000000e+00> : vector<128xf32>
    %reduce_sum3A_43 = vector.multi_reduction <add>, %mul3A_41, %reduce_sum3A_42 [0] : vector<64x128xf32> to vector<128xf32>
    %broadcast_in_dim3A_44 = vector.shape_cast %reduce_sum3A_43 : vector<128xf32> to vector<1x128xf32>
    %add3A_45 = arith.addf %broadcast_in_dim3A_39, %broadcast_in_dim3A_44 : vector<1x128xf32>
    %reduce_sum3A_46 = arith.constant dense<0.000000e+00> : vector<64xf32>
    %reduce_sum3A_47 = vector.multi_reduction <add>, %slice3A_33, %reduce_sum3A_46 [1] : vector<64x128xf32> to vector<64xf32>
    %broadcast_in_dim3A_48 = vector.shape_cast %reduce_sum3A_47 : vector<64xf32> to vector<64x1xf32>
    %add3A_49 = arith.addf %add3A_32, %broadcast_in_dim3A_48 : vector<64x1xf32>
    %slice3A_50 = vector.extract_strided_slice %convert_element_type3A_13 {offsets = [0, 256], sizes = [64, 128], strides = [1, 1]} : vector<64x2048xf32> to vector<64x128xf32>
    %dot_general3A_51 = arith.constant dense<0.000000e+00> : vector<64x128xf32>
    %dot_general3A_52 = tpu.matmul %slice3A_50, %convert_element_type3A_17, %dot_general3A_51 {dimension_numbers = #tpu.dot_dimension_numbers<[1], [0], [0], [1], [0, 0, 1, 1], [], []>, transpose_lhs_hint = false} : vector<64x128xf32>, vector<128x128xf32>, vector<64x128xf32> -> vector<64x128xf32>
    %mul3A_53 = arith.mulf %dot_general3A_52, %slice3A_50 : vector<64x128xf32>
    %reduce_sum3A_54 = arith.constant dense<0.000000e+00> : vector<128xf32>
    %reduce_sum3A_55 = vector.multi_reduction <add>, %mul3A_53, %reduce_sum3A_54 [0] : vector<64x128xf32> to vector<128xf32>
    %broadcast_in_dim3A_56 = vector.shape_cast %reduce_sum3A_55 : vector<128xf32> to vector<1x128xf32>
    %mul3A_57 = vector.broadcast %add3A_49 : vector<64x1xf32> to vector<64x128xf32>
    %mul3A_58 = arith.mulf %mul3A_57, %slice3A_50 : vector<64x128xf32>
    %reduce_sum3A_59 = arith.constant dense<0.000000e+00> : vector<128xf32>
    %reduce_sum3A_60 = vector.multi_reduction <add>, %mul3A_58, %reduce_sum3A_59 [0] : vector<64x128xf32> to vector<128xf32>
    %broadcast_in_dim3A_61 = vector.shape_cast %reduce_sum3A_60 : vector<128xf32> to vector<1x128xf32>
    %add3A_62 = arith.addf %broadcast_in_dim3A_56, %broadcast_in_dim3A_61 : vector<1x128xf32>
    %reduce_sum3A_63 = arith.constant dense<0.000000e+00> : vector<64xf32>
    %reduce_sum3A_64 = vector.multi_reduction <add>, %slice3A_50, %reduce_sum3A_63 [1] : vector<64x128xf32> to vector<64xf32>
    %broadcast_in_dim3A_65 = vector.shape_cast %reduce_sum3A_64 : vector<64xf32> to vector<64x1xf32>
    %add3A_66 = arith.addf %add3A_49, %broadcast_in_dim3A_65 : vector<64x1xf32>
    %slice3A_67 = vector.extract_strided_slice %convert_element_type3A_13 {offsets = [0, 384], sizes = [64, 128], strides = [1, 1]} : vector<64x2048xf32> to vector<64x128xf32>
    %dot_general3A_68 = arith.constant dense<0.000000e+00> : vector<64x128xf32>
    %dot_general3A_69 = tpu.matmul %slice3A_67, %convert_element_type3A_17, %dot_general3A_68 {dimension_numbers = #tpu.dot_dimension_numbers<[1], [0], [0], [1], [0, 0, 1, 1], [], []>, transpose_lhs_hint = false} : vector<64x128xf32>, vector<128x128xf32>, vector<64x128xf32> -> vector<64x128xf32>
    %mul3A_70 = arith.mulf %dot_general3A_69, %slice3A_67 : vector<64x128xf32>
    %reduce_sum3A_71 = arith.constant dense<0.000000e+00> : vector<128xf32>
    %reduce_sum3A_72 = vector.multi_reduction <add>, %mul3A_70, %reduce_sum3A_71 [0] : vector<64x128xf32> to vector<128xf32>
    %broadcast_in_dim3A_73 = vector.shape_cast %reduce_sum3A_72 : vector<128xf32> to vector<1x128xf32>
    %mul3A_74 = vector.broadcast %add3A_66 : vector<64x1xf32> to vector<64x128xf32>
    %mul3A_75 = arith.mulf %mul3A_74, %slice3A_67 : vector<64x128xf32>
    %reduce_sum3A_76 = arith.constant dense<0.000000e+00> : vector<128xf32>
    %reduce_sum3A_77 = vector.multi_reduction <add>, %mul3A_75, %reduce_sum3A_76 [0] : vector<64x128xf32> to vector<128xf32>
    %broadcast_in_dim3A_78 = vector.shape_cast %reduce_sum3A_77 : vector<128xf32> to vector<1x128xf32>
    %add3A_79 = arith.addf %broadcast_in_dim3A_73, %broadcast_in_dim3A_78 : vector<1x128xf32>
    %reduce_sum3A_80 = arith.constant dense<0.000000e+00> : vector<64xf32>
    %reduce_sum3A_81 = vector.multi_reduction <add>, %slice3A_67, %reduce_sum3A_80 [1] : vector<64x128xf32> to vector<64xf32>
    %broadcast_in_dim3A_82 = vector.shape_cast %reduce_sum3A_81 : vector<64xf32> to vector<64x1xf32>
    %add3A_83 = arith.addf %add3A_66, %broadcast_in_dim3A_82 : vector<64x1xf32>
    %slice3A_84 = vector.extract_strided_slice %convert_element_type3A_13 {offsets = [0, 512], sizes = [64, 128], strides = [1, 1]} : vector<64x2048xf32> to vector<64x128xf32>
    %dot_general3A_85 = arith.constant dense<0.000000e+00> : vector<64x128xf32>
    %dot_general3A_86 = tpu.matmul %slice3A_84, %convert_element_type3A_17, %dot_general3A_85 {dimension_numbers = #tpu.dot_dimension_numbers<[1], [0], [0], [1], [0, 0, 1, 1], [], []>, transpose_lhs_hint = false} : vector<64x128xf32>, vector<128x128xf32>, vector<64x128xf32> -> vector<64x128xf32>
    %mul3A_87 = arith.mulf %dot_general3A_86, %slice3A_84 : vector<64x128xf32>
    %reduce_sum3A_88 = arith.constant dense<0.000000e+00> : vector<128xf32>
    %reduce_sum3A_89 = vector.multi_reduction <add>, %mul3A_87, %reduce_sum3A_88 [0] : vector<64x128xf32> to vector<128xf32>
    %broadcast_in_dim3A_90 = vector.shape_cast %reduce_sum3A_89 : vector<128xf32> to vector<1x128xf32>
    %mul3A_91 = vector.broadcast %add3A_83 : vector<64x1xf32> to vector<64x128xf32>
    %mul3A_92 = arith.mulf %mul3A_91, %slice3A_84 : vector<64x128xf32>
    %reduce_sum3A_93 = arith.constant dense<0.000000e+00> : vector<128xf32>
    %reduce_sum3A_94 = vector.multi_reduction <add>, %mul3A_92, %reduce_sum3A_93 [0] : vector<64x128xf32> to vector<128xf32>
    %broadcast_in_dim3A_95 = vector.shape_cast %reduce_sum3A_94 : vector<128xf32> to vector<1x128xf32>
    %add3A_96 = arith.addf %broadcast_in_dim3A_90, %broadcast_in_dim3A_95 : vector<1x128xf32>
    %reduce_sum3A_97 = arith.constant dense<0.000000e+00> : vector<64xf32>
    %reduce_sum3A_98 = vector.multi_reduction <add>, %slice3A_84, %reduce_sum3A_97 [1] : vector<64x128xf32> to vector<64xf32>
    %broadcast_in_dim3A_99 = vector.shape_cast %reduce_sum3A_98 : vector<64xf32> to vector<64x1xf32>
    %add3A_100 = arith.addf %add3A_83, %broadcast_in_dim3A_99 : vector<64x1xf32>
    %slice3A_101 = vector.extract_strided_slice %convert_element_type3A_13 {offsets = [0, 640], sizes = [64, 128], strides = [1, 1]} : vector<64x2048xf32> to vector<64x128xf32>
    %dot_general3A_102 = arith.constant dense<0.000000e+00> : vector<64x128xf32>
    %dot_general3A_103 = tpu.matmul %slice3A_101, %convert_element_type3A_17, %dot_general3A_102 {dimension_numbers = #tpu.dot_dimension_numbers<[1], [0], [0], [1], [0, 0, 1, 1], [], []>, transpose_lhs_hint = false} : vector<64x128xf32>, vector<128x128xf32>, vector<64x128xf32> -> vector<64x128xf32>
    %mul3A_104 = arith.mulf %dot_general3A_103, %slice3A_101 : vector<64x128xf32>
    %reduce_sum3A_105 = arith.constant dense<0.000000e+00> : vector<128xf32>
    %reduce_sum3A_106 = vector.multi_reduction <add>, %mul3A_104, %reduce_sum3A_105 [0] : vector<64x128xf32> to vector<128xf32>
    %broadcast_in_dim3A_107 = vector.shape_cast %reduce_sum3A_106 : vector<128xf32> to vector<1x128xf32>
    %mul3A_108 = vector.broadcast %add3A_100 : vector<64x1xf32> to vector<64x128xf32>
    %mul3A_109 = arith.mulf %mul3A_108, %slice3A_101 : vector<64x128xf32>
    %reduce_sum3A_110 = arith.constant dense<0.000000e+00> : vector<128xf32>
    %reduce_sum3A_111 = vector.multi_reduction <add>, %mul3A_109, %reduce_sum3A_110 [0] : vector<64x128xf32> to vector<128xf32>
    %broadcast_in_dim3A_112 = vector.shape_cast %reduce_sum3A_111 : vector<128xf32> to vector<1x128xf32>
    %add3A_113 = arith.addf %broadcast_in_dim3A_107, %broadcast_in_dim3A_112 : vector<1x128xf32>
    %reduce_sum3A_114 = arith.constant dense<0.000000e+00> : vector<64xf32>
    %reduce_sum3A_115 = vector.multi_reduction <add>, %slice3A_101, %reduce_sum3A_114 [1] : vector<64x128xf32> to vector<64xf32>
    %broadcast_in_dim3A_116 = vector.shape_cast %reduce_sum3A_115 : vector<64xf32> to vector<64x1xf32>
    %add3A_117 = arith.addf %add3A_100, %broadcast_in_dim3A_116 : vector<64x1xf32>
    %slice3A_118 = vector.extract_strided_slice %convert_element_type3A_13 {offsets = [0, 768], sizes = [64, 128], strides = [1, 1]} : vector<64x2048xf32> to vector<64x128xf32>
    %dot_general3A_119 = arith.constant dense<0.000000e+00> : vector<64x128xf32>
    %dot_general3A_120 = tpu.matmul %slice3A_118, %convert_element_type3A_17, %dot_general3A_119 {dimension_numbers = #tpu.dot_dimension_numbers<[1], [0], [0], [1], [0, 0, 1, 1], [], []>, transpose_lhs_hint = false} : vector<64x128xf32>, vector<128x128xf32>, vector<64x128xf32> -> vector<64x128xf32>
    %mul3A_121 = arith.mulf %dot_general3A_120, %slice3A_118 : vector<64x128xf32>
    %reduce_sum3A_122 = arith.constant dense<0.000000e+00> : vector<128xf32>
    %reduce_sum3A_123 = vector.multi_reduction <add>, %mul3A_121, %reduce_sum3A_122 [0] : vector<64x128xf32> to vector<128xf32>
    %broadcast_in_dim3A_124 = vector.shape_cast %reduce_sum3A_123 : vector<128xf32> to vector<1x128xf32>
    %mul3A_125 = vector.broadcast %add3A_117 : vector<64x1xf32> to vector<64x128xf32>
    %mul3A_126 = arith.mulf %mul3A_125, %slice3A_118 : vector<64x128xf32>
    %reduce_sum3A_127 = arith.constant dense<0.000000e+00> : vector<128xf32>
    %reduce_sum3A_128 = vector.multi_reduction <add>, %mul3A_126, %reduce_sum3A_127 [0] : vector<64x128xf32> to vector<128xf32>
    %broadcast_in_dim3A_129 = vector.shape_cast %reduce_sum3A_128 : vector<128xf32> to vector<1x128xf32>
    %add3A_130 = arith.addf %broadcast_in_dim3A_124, %broadcast_in_dim3A_129 : vector<1x128xf32>
    %reduce_sum3A_131 = arith.constant dense<0.000000e+00> : vector<64xf32>
    %reduce_sum3A_132 = vector.multi_reduction <add>, %slice3A_118, %reduce_sum3A_131 [1] : vector<64x128xf32> to vector<64xf32>
    %broadcast_in_dim3A_133 = vector.shape_cast %reduce_sum3A_132 : vector<64xf32> to vector<64x1xf32>
    %add3A_134 = arith.addf %add3A_117, %broadcast_in_dim3A_133 : vector<64x1xf32>
    %slice3A_135 = vector.extract_strided_slice %convert_element_type3A_13 {offsets = [0, 896], sizes = [64, 128], strides = [1, 1]} : vector<64x2048xf32> to vector<64x128xf32>
    %dot_general3A_136 = arith.constant dense<0.000000e+00> : vector<64x128xf32>
    %dot_general3A_137 = tpu.matmul %slice3A_135, %convert_element_type3A_17, %dot_general3A_136 {dimension_numbers = #tpu.dot_dimension_numbers<[1], [0], [0], [1], [0, 0, 1, 1], [], []>, transpose_lhs_hint = false} : vector<64x128xf32>, vector<128x128xf32>, vector<64x128xf32> -> vector<64x128xf32>
    %mul3A_138 = arith.mulf %dot_general3A_137, %slice3A_135 : vector<64x128xf32>
    %reduce_sum3A_139 = arith.constant dense<0.000000e+00> : vector<128xf32>
    %reduce_sum3A_140 = vector.multi_reduction <add>, %mul3A_138, %reduce_sum3A_139 [0] : vector<64x128xf32> to vector<128xf32>
    %broadcast_in_dim3A_141 = vector.shape_cast %reduce_sum3A_140 : vector<128xf32> to vector<1x128xf32>
    %mul3A_142 = vector.broadcast %add3A_134 : vector<64x1xf32> to vector<64x128xf32>
    %mul3A_143 = arith.mulf %mul3A_142, %slice3A_135 : vector<64x128xf32>
    %reduce_sum3A_144 = arith.constant dense<0.000000e+00> : vector<128xf32>
    %reduce_sum3A_145 = vector.multi_reduction <add>, %mul3A_143, %reduce_sum3A_144 [0] : vector<64x128xf32> to vector<128xf32>
    %broadcast_in_dim3A_146 = vector.shape_cast %reduce_sum3A_145 : vector<128xf32> to vector<1x128xf32>
    %add3A_147 = arith.addf %broadcast_in_dim3A_141, %broadcast_in_dim3A_146 : vector<1x128xf32>
    %reduce_sum3A_148 = arith.constant dense<0.000000e+00> : vector<64xf32>
    %reduce_sum3A_149 = vector.multi_reduction <add>, %slice3A_135, %reduce_sum3A_148 [1] : vector<64x128xf32> to vector<64xf32>
    %broadcast_in_dim3A_150 = vector.shape_cast %reduce_sum3A_149 : vector<64xf32> to vector<64x1xf32>
    %add3A_151 = arith.addf %add3A_134, %broadcast_in_dim3A_150 : vector<64x1xf32>
    %slice3A_152 = vector.extract_strided_slice %convert_element_type3A_13 {offsets = [0, 1024], sizes = [64, 128], strides = [1, 1]} : vector<64x2048xf32> to vector<64x128xf32>
    %dot_general3A_153 = arith.constant dense<0.000000e+00> : vector<64x128xf32>
    %dot_general3A_154 = tpu.matmul %slice3A_152, %convert_element_type3A_17, %dot_general3A_153 {dimension_numbers = #tpu.dot_dimension_numbers<[1], [0], [0], [1], [0, 0, 1, 1], [], []>, transpose_lhs_hint = false} : vector<64x128xf32>, vector<128x128xf32>, vector<64x128xf32> -> vector<64x128xf32>
    %mul3A_155 = arith.mulf %dot_general3A_154, %slice3A_152 : vector<64x128xf32>
    %reduce_sum3A_156 = arith.constant dense<0.000000e+00> : vector<128xf32>
    %reduce_sum3A_157 = vector.multi_reduction <add>, %mul3A_155, %reduce_sum3A_156 [0] : vector<64x128xf32> to vector<128xf32>
    %broadcast_in_dim3A_158 = vector.shape_cast %reduce_sum3A_157 : vector<128xf32> to vector<1x128xf32>
    %mul3A_159 = vector.broadcast %add3A_151 : vector<64x1xf32> to vector<64x128xf32>
    %mul3A_160 = arith.mulf %mul3A_159, %slice3A_152 : vector<64x128xf32>
    %reduce_sum3A_161 = arith.constant dense<0.000000e+00> : vector<128xf32>
    %reduce_sum3A_162 = vector.multi_reduction <add>, %mul3A_160, %reduce_sum3A_161 [0] : vector<64x128xf32> to vector<128xf32>
    %broadcast_in_dim3A_163 = vector.shape_cast %reduce_sum3A_162 : vector<128xf32> to vector<1x128xf32>
    %add3A_164 = arith.addf %broadcast_in_dim3A_158, %broadcast_in_dim3A_163 : vector<1x128xf32>
    %reduce_sum3A_165 = arith.constant dense<0.000000e+00> : vector<64xf32>
    %reduce_sum3A_166 = vector.multi_reduction <add>, %slice3A_152, %reduce_sum3A_165 [1] : vector<64x128xf32> to vector<64xf32>
    %broadcast_in_dim3A_167 = vector.shape_cast %reduce_sum3A_166 : vector<64xf32> to vector<64x1xf32>
    %add3A_168 = arith.addf %add3A_151, %broadcast_in_dim3A_167 : vector<64x1xf32>
    %slice3A_169 = vector.extract_strided_slice %convert_element_type3A_13 {offsets = [0, 1152], sizes = [64, 128], strides = [1, 1]} : vector<64x2048xf32> to vector<64x128xf32>
    %dot_general3A_170 = arith.constant dense<0.000000e+00> : vector<64x128xf32>
    %dot_general3A_171 = tpu.matmul %slice3A_169, %convert_element_type3A_17, %dot_general3A_170 {dimension_numbers = #tpu.dot_dimension_numbers<[1], [0], [0], [1], [0, 0, 1, 1], [], []>, transpose_lhs_hint = false} : vector<64x128xf32>, vector<128x128xf32>, vector<64x128xf32> -> vector<64x128xf32>
    %mul3A_172 = arith.mulf %dot_general3A_171, %slice3A_169 : vector<64x128xf32>
    %reduce_sum3A_173 = arith.constant dense<0.000000e+00> : vector<128xf32>
    %reduce_sum3A_174 = vector.multi_reduction <add>, %mul3A_172, %reduce_sum3A_173 [0] : vector<64x128xf32> to vector<128xf32>
    %broadcast_in_dim3A_175 = vector.shape_cast %reduce_sum3A_174 : vector<128xf32> to vector<1x128xf32>
    %mul3A_176 = vector.broadcast %add3A_168 : vector<64x1xf32> to vector<64x128xf32>
    %mul3A_177 = arith.mulf %mul3A_176, %slice3A_169 : vector<64x128xf32>
    %reduce_sum3A_178 = arith.constant dense<0.000000e+00> : vector<128xf32>
    %reduce_sum3A_179 = vector.multi_reduction <add>, %mul3A_177, %reduce_sum3A_178 [0] : vector<64x128xf32> to vector<128xf32>
    %broadcast_in_dim3A_180 = vector.shape_cast %reduce_sum3A_179 : vector<128xf32> to vector<1x128xf32>
    %add3A_181 = arith.addf %broadcast_in_dim3A_175, %broadcast_in_dim3A_180 : vector<1x128xf32>
    %reduce_sum3A_182 = arith.constant dense<0.000000e+00> : vector<64xf32>
    %reduce_sum3A_183 = vector.multi_reduction <add>, %slice3A_169, %reduce_sum3A_182 [1] : vector<64x128xf32> to vector<64xf32>
    %broadcast_in_dim3A_184 = vector.shape_cast %reduce_sum3A_183 : vector<64xf32> to vector<64x1xf32>
    %add3A_185 = arith.addf %add3A_168, %broadcast_in_dim3A_184 : vector<64x1xf32>
    %slice3A_186 = vector.extract_strided_slice %convert_element_type3A_13 {offsets = [0, 1280], sizes = [64, 128], strides = [1, 1]} : vector<64x2048xf32> to vector<64x128xf32>
    %dot_general3A_187 = arith.constant dense<0.000000e+00> : vector<64x128xf32>
    %dot_general3A_188 = tpu.matmul %slice3A_186, %convert_element_type3A_17, %dot_general3A_187 {dimension_numbers = #tpu.dot_dimension_numbers<[1], [0], [0], [1], [0, 0, 1, 1], [], []>, transpose_lhs_hint = false} : vector<64x128xf32>, vector<128x128xf32>, vector<64x128xf32> -> vector<64x128xf32>
    %mul3A_189 = arith.mulf %dot_general3A_188, %slice3A_186 : vector<64x128xf32>
    %reduce_sum3A_190 = arith.constant dense<0.000000e+00> : vector<128xf32>
    %reduce_sum3A_191 = vector.multi_reduction <add>, %mul3A_189, %reduce_sum3A_190 [0] : vector<64x128xf32> to vector<128xf32>
    %broadcast_in_dim3A_192 = vector.shape_cast %reduce_sum3A_191 : vector<128xf32> to vector<1x128xf32>
    %mul3A_193 = vector.broadcast %add3A_185 : vector<64x1xf32> to vector<64x128xf32>
    %mul3A_194 = arith.mulf %mul3A_193, %slice3A_186 : vector<64x128xf32>
    %reduce_sum3A_195 = arith.constant dense<0.000000e+00> : vector<128xf32>
    %reduce_sum3A_196 = vector.multi_reduction <add>, %mul3A_194, %reduce_sum3A_195 [0] : vector<64x128xf32> to vector<128xf32>
    %broadcast_in_dim3A_197 = vector.shape_cast %reduce_sum3A_196 : vector<128xf32> to vector<1x128xf32>
    %add3A_198 = arith.addf %broadcast_in_dim3A_192, %broadcast_in_dim3A_197 : vector<1x128xf32>
    %reduce_sum3A_199 = arith.constant dense<0.000000e+00> : vector<64xf32>
    %reduce_sum3A_200 = vector.multi_reduction <add>, %slice3A_186, %reduce_sum3A_199 [1] : vector<64x128xf32> to vector<64xf32>
    %broadcast_in_dim3A_201 = vector.shape_cast %reduce_sum3A_200 : vector<64xf32> to vector<64x1xf32>
    %add3A_202 = arith.addf %add3A_185, %broadcast_in_dim3A_201 : vector<64x1xf32>
    %slice3A_203 = vector.extract_strided_slice %convert_element_type3A_13 {offsets = [0, 1408], sizes = [64, 128], strides = [1, 1]} : vector<64x2048xf32> to vector<64x128xf32>
    %dot_general3A_204 = arith.constant dense<0.000000e+00> : vector<64x128xf32>
    %dot_general3A_205 = tpu.matmul %slice3A_203, %convert_element_type3A_17, %dot_general3A_204 {dimension_numbers = #tpu.dot_dimension_numbers<[1], [0], [0], [1], [0, 0, 1, 1], [], []>, transpose_lhs_hint = false} : vector<64x128xf32>, vector<128x128xf32>, vector<64x128xf32> -> vector<64x128xf32>
    %mul3A_206 = arith.mulf %dot_general3A_205, %slice3A_203 : vector<64x128xf32>
    %reduce_sum3A_207 = arith.constant dense<0.000000e+00> : vector<128xf32>
    %reduce_sum3A_208 = vector.multi_reduction <add>, %mul3A_206, %reduce_sum3A_207 [0] : vector<64x128xf32> to vector<128xf32>
    %broadcast_in_dim3A_209 = vector.shape_cast %reduce_sum3A_208 : vector<128xf32> to vector<1x128xf32>
    %mul3A_210 = vector.broadcast %add3A_202 : vector<64x1xf32> to vector<64x128xf32>
    %mul3A_211 = arith.mulf %mul3A_210, %slice3A_203 : vector<64x128xf32>
    %reduce_sum3A_212 = arith.constant dense<0.000000e+00> : vector<128xf32>
    %reduce_sum3A_213 = vector.multi_reduction <add>, %mul3A_211, %reduce_sum3A_212 [0] : vector<64x128xf32> to vector<128xf32>
    %broadcast_in_dim3A_214 = vector.shape_cast %reduce_sum3A_213 : vector<128xf32> to vector<1x128xf32>
    %add3A_215 = arith.addf %broadcast_in_dim3A_209, %broadcast_in_dim3A_214 : vector<1x128xf32>
    %reduce_sum3A_216 = arith.constant dense<0.000000e+00> : vector<64xf32>
    %reduce_sum3A_217 = vector.multi_reduction <add>, %slice3A_203, %reduce_sum3A_216 [1] : vector<64x128xf32> to vector<64xf32>
    %broadcast_in_dim3A_218 = vector.shape_cast %reduce_sum3A_217 : vector<64xf32> to vector<64x1xf32>
    %add3A_219 = arith.addf %add3A_202, %broadcast_in_dim3A_218 : vector<64x1xf32>
    %slice3A_220 = vector.extract_strided_slice %convert_element_type3A_13 {offsets = [0, 1536], sizes = [64, 128], strides = [1, 1]} : vector<64x2048xf32> to vector<64x128xf32>
    %dot_general3A_221 = arith.constant dense<0.000000e+00> : vector<64x128xf32>
    %dot_general3A_222 = tpu.matmul %slice3A_220, %convert_element_type3A_17, %dot_general3A_221 {dimension_numbers = #tpu.dot_dimension_numbers<[1], [0], [0], [1], [0, 0, 1, 1], [], []>, transpose_lhs_hint = false} : vector<64x128xf32>, vector<128x128xf32>, vector<64x128xf32> -> vector<64x128xf32>
    %mul3A_223 = arith.mulf %dot_general3A_222, %slice3A_220 : vector<64x128xf32>
    %reduce_sum3A_224 = arith.constant dense<0.000000e+00> : vector<128xf32>
    %reduce_sum3A_225 = vector.multi_reduction <add>, %mul3A_223, %reduce_sum3A_224 [0] : vector<64x128xf32> to vector<128xf32>
    %broadcast_in_dim3A_226 = vector.shape_cast %reduce_sum3A_225 : vector<128xf32> to vector<1x128xf32>
    %mul3A_227 = vector.broadcast %add3A_219 : vector<64x1xf32> to vector<64x128xf32>
    %mul3A_228 = arith.mulf %mul3A_227, %slice3A_220 : vector<64x128xf32>
    %reduce_sum3A_229 = arith.constant dense<0.000000e+00> : vector<128xf32>
    %reduce_sum3A_230 = vector.multi_reduction <add>, %mul3A_228, %reduce_sum3A_229 [0] : vector<64x128xf32> to vector<128xf32>
    %broadcast_in_dim3A_231 = vector.shape_cast %reduce_sum3A_230 : vector<128xf32> to vector<1x128xf32>
    %add3A_232 = arith.addf %broadcast_in_dim3A_226, %broadcast_in_dim3A_231 : vector<1x128xf32>
    %reduce_sum3A_233 = arith.constant dense<0.000000e+00> : vector<64xf32>
    %reduce_sum3A_234 = vector.multi_reduction <add>, %slice3A_220, %reduce_sum3A_233 [1] : vector<64x128xf32> to vector<64xf32>
    %broadcast_in_dim3A_235 = vector.shape_cast %reduce_sum3A_234 : vector<64xf32> to vector<64x1xf32>
    %add3A_236 = arith.addf %add3A_219, %broadcast_in_dim3A_235 : vector<64x1xf32>
    %slice3A_237 = vector.extract_strided_slice %convert_element_type3A_13 {offsets = [0, 1664], sizes = [64, 128], strides = [1, 1]} : vector<64x2048xf32> to vector<64x128xf32>
    %dot_general3A_238 = arith.constant dense<0.000000e+00> : vector<64x128xf32>
    %dot_general3A_239 = tpu.matmul %slice3A_237, %convert_element_type3A_17, %dot_general3A_238 {dimension_numbers = #tpu.dot_dimension_numbers<[1], [0], [0], [1], [0, 0, 1, 1], [], []>, transpose_lhs_hint = false} : vector<64x128xf32>, vector<128x128xf32>, vector<64x128xf32> -> vector<64x128xf32>
    %mul3A_240 = arith.mulf %dot_general3A_239, %slice3A_237 : vector<64x128xf32>
    %reduce_sum3A_241 = arith.constant dense<0.000000e+00> : vector<128xf32>
    %reduce_sum3A_242 = vector.multi_reduction <add>, %mul3A_240, %reduce_sum3A_241 [0] : vector<64x128xf32> to vector<128xf32>
    %broadcast_in_dim3A_243 = vector.shape_cast %reduce_sum3A_242 : vector<128xf32> to vector<1x128xf32>
    %mul3A_244 = vector.broadcast %add3A_236 : vector<64x1xf32> to vector<64x128xf32>
    %mul3A_245 = arith.mulf %mul3A_244, %slice3A_237 : vector<64x128xf32>
    %reduce_sum3A_246 = arith.constant dense<0.000000e+00> : vector<128xf32>
    %reduce_sum3A_247 = vector.multi_reduction <add>, %mul3A_245, %reduce_sum3A_246 [0] : vector<64x128xf32> to vector<128xf32>
    %broadcast_in_dim3A_248 = vector.shape_cast %reduce_sum3A_247 : vector<128xf32> to vector<1x128xf32>
    %add3A_249 = arith.addf %broadcast_in_dim3A_243, %broadcast_in_dim3A_248 : vector<1x128xf32>
    %reduce_sum3A_250 = arith.constant dense<0.000000e+00> : vector<64xf32>
    %reduce_sum3A_251 = vector.multi_reduction <add>, %slice3A_237, %reduce_sum3A_250 [1] : vector<64x128xf32> to vector<64xf32>
    %broadcast_in_dim3A_252 = vector.shape_cast %reduce_sum3A_251 : vector<64xf32> to vector<64x1xf32>
    %add3A_253 = arith.addf %add3A_236, %broadcast_in_dim3A_252 : vector<64x1xf32>
    %slice3A_254 = vector.extract_strided_slice %convert_element_type3A_13 {offsets = [0, 1792], sizes = [64, 128], strides = [1, 1]} : vector<64x2048xf32> to vector<64x128xf32>
    %dot_general3A_255 = arith.constant dense<0.000000e+00> : vector<64x128xf32>
    %dot_general3A_256 = tpu.matmul %slice3A_254, %convert_element_type3A_17, %dot_general3A_255 {dimension_numbers = #tpu.dot_dimension_numbers<[1], [0], [0], [1], [0, 0, 1, 1], [], []>, transpose_lhs_hint = false} : vector<64x128xf32>, vector<128x128xf32>, vector<64x128xf32> -> vector<64x128xf32>
    %mul3A_257 = arith.mulf %dot_general3A_256, %slice3A_254 : vector<64x128xf32>
    %reduce_sum3A_258 = arith.constant dense<0.000000e+00> : vector<128xf32>
    %reduce_sum3A_259 = vector.multi_reduction <add>, %mul3A_257, %reduce_sum3A_258 [0] : vector<64x128xf32> to vector<128xf32>
    %broadcast_in_dim3A_260 = vector.shape_cast %reduce_sum3A_259 : vector<128xf32> to vector<1x128xf32>
    %mul3A_261 = vector.broadcast %add3A_253 : vector<64x1xf32> to vector<64x128xf32>
    %mul3A_262 = arith.mulf %mul3A_261, %slice3A_254 : vector<64x128xf32>
    %reduce_sum3A_263 = arith.constant dense<0.000000e+00> : vector<128xf32>
    %reduce_sum3A_264 = vector.multi_reduction <add>, %mul3A_262, %reduce_sum3A_263 [0] : vector<64x128xf32> to vector<128xf32>
    %broadcast_in_dim3A_265 = vector.shape_cast %reduce_sum3A_264 : vector<128xf32> to vector<1x128xf32>
    %add3A_266 = arith.addf %broadcast_in_dim3A_260, %broadcast_in_dim3A_265 : vector<1x128xf32>
    %reduce_sum3A_267 = arith.constant dense<0.000000e+00> : vector<64xf32>
    %reduce_sum3A_268 = vector.multi_reduction <add>, %slice3A_254, %reduce_sum3A_267 [1] : vector<64x128xf32> to vector<64xf32>
    %broadcast_in_dim3A_269 = vector.shape_cast %reduce_sum3A_268 : vector<64xf32> to vector<64x1xf32>
    %add3A_270 = arith.addf %add3A_253, %broadcast_in_dim3A_269 : vector<64x1xf32>
    %slice3A_271 = vector.extract_strided_slice %convert_element_type3A_13 {offsets = [0, 1920], sizes = [64, 128], strides = [1, 1]} : vector<64x2048xf32> to vector<64x128xf32>
    %dot_general3A_272 = arith.constant dense<0.000000e+00> : vector<64x128xf32>
    %dot_general3A_273 = tpu.matmul %slice3A_271, %convert_element_type3A_17, %dot_general3A_272 {dimension_numbers = #tpu.dot_dimension_numbers<[1], [0], [0], [1], [0, 0, 1, 1], [], []>, transpose_lhs_hint = false} : vector<64x128xf32>, vector<128x128xf32>, vector<64x128xf32> -> vector<64x128xf32>
    %mul3A_274 = arith.mulf %dot_general3A_273, %slice3A_271 : vector<64x128xf32>
    %reduce_sum3A_275 = arith.constant dense<0.000000e+00> : vector<128xf32>
    %reduce_sum3A_276 = vector.multi_reduction <add>, %mul3A_274, %reduce_sum3A_275 [0] : vector<64x128xf32> to vector<128xf32>
    %broadcast_in_dim3A_277 = vector.shape_cast %reduce_sum3A_276 : vector<128xf32> to vector<1x128xf32>
    %mul3A_278 = vector.broadcast %add3A_270 : vector<64x1xf32> to vector<64x128xf32>
    %mul3A_279 = arith.mulf %mul3A_278, %slice3A_271 : vector<64x128xf32>
    %reduce_sum3A_280 = arith.constant dense<0.000000e+00> : vector<128xf32>
    %reduce_sum3A_281 = vector.multi_reduction <add>, %mul3A_279, %reduce_sum3A_280 [0] : vector<64x128xf32> to vector<128xf32>
    %broadcast_in_dim3A_282 = vector.shape_cast %reduce_sum3A_281 : vector<128xf32> to vector<1x128xf32>
    %add3A_283 = arith.addf %broadcast_in_dim3A_277, %broadcast_in_dim3A_282 : vector<1x128xf32>
    %reduce_sum3A_284 = arith.constant dense<0.000000e+00> : vector<64xf32>
    %reduce_sum3A_285 = vector.multi_reduction <add>, %slice3A_271, %reduce_sum3A_284 [1] : vector<64x128xf32> to vector<64xf32>
    %broadcast_in_dim3A_286 = vector.shape_cast %reduce_sum3A_285 : vector<64xf32> to vector<64x1xf32>
    %add3A_287 = arith.addf %add3A_270, %broadcast_in_dim3A_286 : vector<64x1xf32>
    %concatenate3A = tpu.concatenate %add3A, %add3A_45, %add3A_62, %add3A_79, %add3A_96, %add3A_113, %add3A_130, %add3A_147, %add3A_164, %add3A_181, %add3A_198, %add3A_215, %add3A_232, %add3A_249, %add3A_266, %add3A_283 in 1 : vector<1x128xf32>, vector<1x128xf32>, vector<1x128xf32>, vector<1x128xf32>, vector<1x128xf32>, vector<1x128xf32>, vector<1x128xf32>, vector<1x128xf32>, vector<1x128xf32>, vector<1x128xf32>, vector<1x128xf32>, vector<1x128xf32>, vector<1x128xf32>, vector<1x128xf32>, vector<1x128xf32>, vector<1x128xf32> -> vector<1x2048xf32>
    %iota3A_288 = tpu.iota {dimensions = array<i32: 0>} : vector<64x64xi32>
    %iota3A_289 = tpu.iota {dimensions = array<i32: 1>} : vector<64x64xi32>
    %le3A = arith.cmpi sle, %iota3A_289, %iota3A_288 : vector<64x64xi32>
    %convert_element_type3A_290 = arith.extui %le3A : vector<64x64xi1> to vector<64x64xi32>
    %convert_element_type3A_291 = arith.sitofp %convert_element_type3A_290 : vector<64x64xi32> to vector<64x64xf32>
    %dot_general3A_292 = arith.constant dense<0.000000e+00> : vector<64x1xf32>
    %dot_general3A_293 = tpu.matmul %convert_element_type3A_291, %add3A_287, %dot_general3A_292 {dimension_numbers = #tpu.dot_dimension_numbers<[1], [0], [0], [1], [0, 0, 1, 1], [], []>, precision = #tpu.contract_precision<fp32>, transpose_lhs_hint = false} : vector<64x64xf32>, vector<64x1xf32>, vector<64x1xf32> -> vector<64x1xf32>
    %sub3A = arith.subf %dot_general3A_293, %add3A_287 : vector<64x1xf32>
    %mul3A_294 = vector.broadcast %sub3A : vector<64x1xf32> to vector<64x2048xf32>
    %mul3A_295 = arith.mulf %mul3A_294, %convert_element_type3A_13 : vector<64x2048xf32>
    %reduce_sum3A_296 = arith.constant dense<0.000000e+00> : vector<2048xf32>
    %reduce_sum3A_297 = vector.multi_reduction <add>, %mul3A_295, %reduce_sum3A_296 [0] : vector<64x2048xf32> to vector<2048xf32>
    %broadcast_in_dim3A_298 = vector.shape_cast %reduce_sum3A_297 : vector<2048xf32> to vector<1x2048xf32>
    %add3A_299 = arith.addf %concatenate3A, %broadcast_in_dim3A_298 : vector<1x2048xf32>
    %convert_element_type3A_300 = arith.fptosi %add3A_299 : vector<1x2048xf32> to vector<1x2048xi32>
    %swap3A = arith.constant 0 : index
    %swap3A_301 = arith.constant 0 : index
    %swap3A_302 = vector.load %arg2[%swap3A, %swap3A_301] : memref<1x2048xi32, #tpu.memory_space<vmem>>, vector<1x2048xi32>
    tpu.vector_store %arg2[%swap3A, %swap3A_301], %convert_element_type3A_300 {strides = array<i32>} : memref<1x2048xi32, #tpu.memory_space<vmem>>, vector<1x2048xi32>,
    %convert_element_type3A_303 = arith.fptosi %add3A_287 : vector<64x1xf32> to vector<64x1xi32>
    %convert_element_type3A_304 = arith.fptosi %sub3A : vector<64x1xf32> to vector<64x1xi32>
    %jit3A_305 = arith.constant 256 : i32
    %div3A = vector.broadcast %jit3A_305 : i32 to vector<64x1xi32>
    %div3A_306 = arith.divsi %convert_element_type3A_304, %div3A : vector<64x1xi32>
    %sign3A = arith.constant 0 : i32
    %sign3A_307 = vector.broadcast %sign3A : i32 to vector<64x1xi32>
    %sign3A_308 = arith.cmpi sgt, %convert_element_type3A_304, %sign3A_307 : vector<64x1xi32>
    %sign3A_309 = arith.extui %sign3A_308 : vector<64x1xi1> to vector<64x1xi32>
    %sign3A_310 = arith.constant 0 : i32
    %sign3A_311 = vector.broadcast %sign3A_310 : i32 to vector<64x1xi32>
    %sign3A_312 = arith.cmpi slt, %convert_element_type3A_304, %sign3A_311 : vector<64x1xi32>
    %sign3A_313 = arith.extui %sign3A_312 : vector<64x1xi1> to vector<64x1xi32>
    %sign3A_314 = arith.subi %sign3A_309, %sign3A_313 : vector<64x1xi32>
    %sign3A_315 = arith.constant 0 : i32
    %sign3A_316 = arith.cmpi sgt, %jit3A_305, %sign3A_315 : i32
    %sign3A_317 = arith.extui %sign3A_316 : i1 to i32
    %sign3A_318 = arith.constant 0 : i32
    %sign3A_319 = arith.cmpi slt, %jit3A_305, %sign3A_318 : i32
    %sign3A_320 = arith.extui %sign3A_319 : i1 to i32
    %sign3A_321 = arith.subi %sign3A_317, %sign3A_320 : i32
    %ne3A = vector.broadcast %sign3A_321 : i32 to vector<64x1xi32>
    %ne3A_322 = arith.cmpi ne, %sign3A_314, %ne3A : vector<64x1xi32>
    %rem3A = vector.broadcast %jit3A_305 : i32 to vector<64x1xi32>
    %rem3A_323 = arith.remsi %convert_element_type3A_304, %rem3A : vector<64x1xi32>
    %ne3A_324 = arith.constant 0 : i32
    %ne3A_325 = vector.broadcast %ne3A_324 : i32 to vector<64x1xi32>
    %ne3A_326 = arith.cmpi ne, %rem3A_323, %ne3A_325 : vector<64x1xi32>
    %and3A = arith.andi %ne3A_322, %ne3A_326 : vector<64x1xi1>
    %sub3A_327 = arith.constant 1 : i32
    %sub3A_328 = vector.broadcast %sub3A_327 : i32 to vector<64x1xi32>
    %sub3A_329 = arith.subi %div3A_306, %sub3A_328 : vector<64x1xi32>
    %select_n3A_330 = arith.select %and3A, %sub3A_329, %div3A_306 : vector<64x1xi1>, vector<64x1xi32>
    %add3A_331 = arith.addi %convert_element_type3A_304, %convert_element_type3A_303 : vector<64x1xi32>
    %sub3A_332 = arith.constant 1 : i32
    %sub3A_333 = vector.broadcast %sub3A_332 : i32 to vector<64x1xi32>
    %sub3A_334 = arith.subi %add3A_331, %sub3A_333 : vector<64x1xi32>
    %jit3A_335 = arith.constant 256 : i32
    %div3A_336 = vector.broadcast %jit3A_335 : i32 to vector<64x1xi32>
    %div3A_337 = arith.divsi %sub3A_334, %div3A_336 : vector<64x1xi32>
    %sign3A_338 = arith.constant 0 : i32
    %sign3A_339 = vector.broadcast %sign3A_338 : i32 to vector<64x1xi32>
    %sign3A_340 = arith.cmpi sgt, %sub3A_334, %sign3A_339 : vector<64x1xi32>
    %sign3A_341 = arith.extui %sign3A_340 : vector<64x1xi1> to vector<64x1xi32>
    %sign3A_342 = arith.constant 0 : i32
    %sign3A_343 = vector.broadcast %sign3A_342 : i32 to vector<64x1xi32>
    %sign3A_344 = arith.cmpi slt, %sub3A_334, %sign3A_343 : vector<64x1xi32>
    %sign3A_345 = arith.extui %sign3A_344 : vector<64x1xi1> to vector<64x1xi32>
    %sign3A_346 = arith.subi %sign3A_341, %sign3A_345 : vector<64x1xi32>
    %sign3A_347 = arith.constant 0 : i32
    %sign3A_348 = arith.cmpi sgt, %jit3A_335, %sign3A_347 : i32
    %sign3A_349 = arith.extui %sign3A_348 : i1 to i32
    %sign3A_350 = arith.constant 0 : i32
    %sign3A_351 = arith.cmpi slt, %jit3A_335, %sign3A_350 : i32
    %sign3A_352 = arith.extui %sign3A_351 : i1 to i32
    %sign3A_353 = arith.subi %sign3A_349, %sign3A_352 : i32
    %ne3A_354 = vector.broadcast %sign3A_353 : i32 to vector<64x1xi32>
    %ne3A_355 = arith.cmpi ne, %sign3A_346, %ne3A_354 : vector<64x1xi32>
    %rem3A_356 = vector.broadcast %jit3A_335 : i32 to vector<64x1xi32>
    %rem3A_357 = arith.remsi %sub3A_334, %rem3A_356 : vector<64x1xi32>
    %ne3A_358 = arith.constant 0 : i32
    %ne3A_359 = vector.broadcast %ne3A_358 : i32 to vector<64x1xi32>
    %ne3A_360 = arith.cmpi ne, %rem3A_357, %ne3A_359 : vector<64x1xi32>
    %and3A_361 = arith.andi %ne3A_355, %ne3A_360 : vector<64x1xi1>
    %sub3A_362 = arith.constant 1 : i32
    %sub3A_363 = vector.broadcast %sub3A_362 : i32 to vector<64x1xi32>
    %sub3A_364 = arith.subi %div3A_337, %sub3A_363 : vector<64x1xi32>
    %select_n3A_365 = arith.select %and3A_361, %sub3A_364, %div3A_337 : vector<64x1xi1>, vector<64x1xi32>
    %gt3A = arith.constant 0 : i32
    %gt3A_366 = vector.broadcast %gt3A : i32 to vector<64x1xi32>
    %gt3A_367 = arith.cmpi sgt, %convert_element_type3A_303, %gt3A_366 : vector<64x1xi32>
    %sub3A_368 = arith.subi %select_n3A_365, %select_n3A_330 : vector<64x1xi32>
    %add3A_369 = arith.constant 1 : i32
    %add3A_370 = vector.broadcast %add3A_369 : i32 to vector<64x1xi32>
    %add3A_371 = arith.addi %sub3A_368, %add3A_370 : vector<64x1xi32>
    %jit3A_372 = arith.constant 0 : i32
    %broadcast_in_dim3A_373 = vector.broadcast %jit3A_372 : i32 to vector<64x1xi32>
    %select_n3A_374 = arith.select %gt3A_367, %add3A_371, %broadcast_in_dim3A_373 : vector<64x1xi1>, vector<64x1xi32>
    %convert_element_type3A_375 = arith.sitofp %select_n3A_374 : vector<64x1xi32> to vector<64x1xf32>
    %dot_general3A_376 = arith.constant dense<0.000000e+00> : vector<64x1xf32>
    %dot_general3A_377 = tpu.matmul %convert_element_type3A_291, %convert_element_type3A_375, %dot_general3A_376 {dimension_numbers = #tpu.dot_dimension_numbers<[1], [0], [0], [1], [0, 0, 1, 1], [], []>, precision = #tpu.contract_precision<fp32>, transpose_lhs_hint = false} : vector<64x64xf32>, vector<64x1xf32>, vector<64x1xf32> -> vector<64x1xf32>
    %convert_element_type3A_378 = arith.fptosi %dot_general3A_377 : vector<64x1xf32> to vector<64x1xi32>
    %reduce_sum3A_379 = vector.shape_cast %select_n3A_374 : vector<64x1xi32> to vector<1x64x1xi32>
    %reduce_sum3A_380 = arith.constant dense<0> : vector<1xi32>
    %reduce_sum3A_381 = vector.multi_reduction <add>, %reduce_sum3A_379, %reduce_sum3A_380 [1, 2] : vector<1x64x1xi32> to vector<1xi32>
    %reduce_sum3A_382 = vector.shape_cast %reduce_sum3A_381 : vector<1xi32> to vector<1x1x1xi32>
    %reduce_sum3A_383 = vector.extract %reduce_sum3A_382[0, 0, 0] : i32 from vector<1x1x1xi32>
    %iota3A_384 = tpu.iota {dimensions = array<i32: 1>} : vector<1x128xi32>
    %lt3A_385 = vector.broadcast %reduce_sum3A_383 : i32 to vector<1x128xi32>
    %lt3A_386 = arith.cmpi slt, %iota3A_384, %lt3A_385 : vector<1x128xi32>
    %le3A_387 = vector.broadcast %convert_element_type3A_378 : vector<64x1xi32> to vector<64x128xi32>
    %le3A_388 = vector.broadcast %iota3A_384 : vector<1x128xi32> to vector<64x128xi32>
    %le3A_389 = arith.cmpi sle, %le3A_387, %le3A_388 : vector<64x128xi32>
    %convert_element_type3A_390 = arith.extui %le3A_389 : vector<64x128xi1> to vector<64x128xi32>
    %reduce_sum3A_391 = arith.constant dense<0> : vector<128xi32>
    %reduce_sum3A_392 = vector.multi_reduction <add>, %convert_element_type3A_390, %reduce_sum3A_391 [0] : vector<64x128xi32> to vector<128xi32>
    %broadcast_in_dim3A_393 = vector.shape_cast %reduce_sum3A_392 : vector<128xi32> to vector<1x128xi32>
    %min3A = arith.constant 63 : i32
    %min3A_394 = vector.broadcast %min3A : i32 to vector<1x128xi32>
    %min3A_395 = arith.minsi %broadcast_in_dim3A_393, %min3A_394 : vector<1x128xi32>
    %sub3A_396 = arith.constant 1 : i32
    %sub3A_397 = arith.subi %reduce_sum3A_383, %sub3A_396 : i32
    %le3A_398 = vector.broadcast %sub3A_397 : i32 to vector<64x1xi32>
    %le3A_399 = arith.cmpi sle, %convert_element_type3A_378, %le3A_398 : vector<64x1xi32>
    %convert_element_type3A_400 = arith.extui %le3A_399 : vector<64x1xi1> to vector<64x1xi32>
    %reduce_sum3A_401 = vector.shape_cast %convert_element_type3A_400 : vector<64x1xi32> to vector<1x64x1xi32>
    %reduce_sum3A_402 = arith.constant dense<0> : vector<1xi32>
    %reduce_sum3A_403 = vector.multi_reduction <add>, %reduce_sum3A_401, %reduce_sum3A_402 [1, 2] : vector<1x64x1xi32> to vector<1xi32>
    %reduce_sum3A_404 = vector.shape_cast %reduce_sum3A_403 : vector<1xi32> to vector<1x1x1xi32>
    %reduce_sum3A_405 = vector.extract %reduce_sum3A_404[0, 0, 0] : i32 from vector<1x1x1xi32>
    %min3A_406 = arith.constant 63 : i32
    %min3A_407 = arith.minsi %reduce_sum3A_405, %min3A_406 : i32
    %broadcast_in_dim3A_408 = vector.broadcast %min3A_407 : i32 to vector<1x128xi32>
    %select_n3A_409 = arith.select %lt3A_386, %min3A_395, %broadcast_in_dim3A_408 : vector<1x128xi1>, vector<1x128xi32>
    %iota3A_410 = tpu.iota {dimensions = array<i32: 0>} : vector<64x128xi32>
    %eq3A_411 = vector.broadcast %select_n3A_409 : vector<1x128xi32> to vector<64x128xi32>
    %eq3A_412 = arith.cmpi eq, %eq3A_411, %iota3A_410 : vector<64x128xi32>
    %convert_element_type3A_413 = arith.extui %eq3A_412 : vector<64x128xi1> to vector<64x128xi32>
    %mul3A_414 = vector.broadcast %convert_element_type3A_378 : vector<64x1xi32> to vector<64x128xi32>
    %mul3A_415 = arith.muli %convert_element_type3A_413, %mul3A_414 : vector<64x128xi32>
    %reduce_sum3A_416 = arith.constant dense<0> : vector<128xi32>
    %reduce_sum3A_417 = vector.multi_reduction <add>, %mul3A_415, %reduce_sum3A_416 [0] : vector<64x128xi32> to vector<128xi32>
    %broadcast_in_dim3A_418 = vector.shape_cast %reduce_sum3A_417 : vector<128xi32> to vector<1x128xi32>
    %mul3A_419 = vector.broadcast %select_n3A_374 : vector<64x1xi32> to vector<64x128xi32>
    %mul3A_420 = arith.muli %convert_element_type3A_413, %mul3A_419 : vector<64x128xi32>
    %reduce_sum3A_421 = arith.constant dense<0> : vector<128xi32>
    %reduce_sum3A_422 = vector.multi_reduction <add>, %mul3A_420, %reduce_sum3A_421 [0] : vector<64x128xi32> to vector<128xi32>
    %broadcast_in_dim3A_423 = vector.shape_cast %reduce_sum3A_422 : vector<128xi32> to vector<1x128xi32>
    %mul3A_424 = vector.broadcast %select_n3A_330 : vector<64x1xi32> to vector<64x128xi32>
    %mul3A_425 = arith.muli %convert_element_type3A_413, %mul3A_424 : vector<64x128xi32>
    %reduce_sum3A_426 = arith.constant dense<0> : vector<128xi32>
    %reduce_sum3A_427 = vector.multi_reduction <add>, %mul3A_425, %reduce_sum3A_426 [0] : vector<64x128xi32> to vector<128xi32>
    %broadcast_in_dim3A_428 = vector.shape_cast %reduce_sum3A_427 : vector<128xi32> to vector<1x128xi32>
    %mul3A_429 = vector.broadcast %convert_element_type3A_304 : vector<64x1xi32> to vector<64x128xi32>
    %mul3A_430 = arith.muli %convert_element_type3A_413, %mul3A_429 : vector<64x128xi32>
    %reduce_sum3A_431 = arith.constant dense<0> : vector<128xi32>
    %reduce_sum3A_432 = vector.multi_reduction <add>, %mul3A_430, %reduce_sum3A_431 [0] : vector<64x128xi32> to vector<128xi32>
    %broadcast_in_dim3A_433 = vector.shape_cast %reduce_sum3A_432 : vector<128xi32> to vector<1x128xi32>
    %mul3A_434 = vector.broadcast %convert_element_type3A_303 : vector<64x1xi32> to vector<64x128xi32>
    %mul3A_435 = arith.muli %convert_element_type3A_413, %mul3A_434 : vector<64x128xi32>
    %reduce_sum3A_436 = arith.constant dense<0> : vector<128xi32>
    %reduce_sum3A_437 = vector.multi_reduction <add>, %mul3A_435, %reduce_sum3A_436 [0] : vector<64x128xi32> to vector<128xi32>
    %broadcast_in_dim3A_438 = vector.shape_cast %reduce_sum3A_437 : vector<128xi32> to vector<1x128xi32>
    %sub3A_439 = arith.subi %broadcast_in_dim3A_418, %broadcast_in_dim3A_423 : vector<1x128xi32>
    %sub3A_440 = arith.subi %iota3A_384, %sub3A_439 : vector<1x128xi32>
    %add3A_441 = arith.addi %broadcast_in_dim3A_428, %sub3A_440 : vector<1x128xi32>
    %jit3A_442 = arith.constant 7 : i32
    %broadcast_in_dim3A_443 = vector.broadcast %jit3A_442 : i32 to vector<1x128xi32>
    %select_n3A_444 = arith.select %lt3A_386, %add3A_441, %broadcast_in_dim3A_443 : vector<1x128xi1>, vector<1x128xi32>
    %mul3A_445 = arith.constant 256 : i32
    %mul3A_446 = vector.broadcast %mul3A_445 : i32 to vector<1x128xi32>
    %mul3A_447 = arith.muli %select_n3A_444, %mul3A_446 : vector<1x128xi32>
    %sub3A_448 = arith.subi %broadcast_in_dim3A_433, %mul3A_447 : vector<1x128xi32>
    %jit3A_449 = arith.constant 0 : i32
    %jit3A_450 = arith.constant 256 : i32
    %max3A = vector.broadcast %jit3A_449 : i32 to vector<1x128xi32>
    %max3A_451 = arith.maxsi %max3A, %sub3A_448 : vector<1x128xi32>
    %min3A_452 = vector.broadcast %jit3A_450 : i32 to vector<1x128xi32>
    %min3A_453 = arith.minsi %min3A_452, %max3A_451 : vector<1x128xi32>
    %add3A_454 = arith.addi %broadcast_in_dim3A_433, %broadcast_in_dim3A_438 : vector<1x128xi32>
    %mul3A_455 = arith.constant 256 : i32
    %mul3A_456 = vector.broadcast %mul3A_455 : i32 to vector<1x128xi32>
    %mul3A_457 = arith.muli %select_n3A_444, %mul3A_456 : vector<1x128xi32>
    %sub3A_458 = arith.subi %add3A_454, %mul3A_457 : vector<1x128xi32>
    %jit3A_459 = arith.constant 0 : i32
    %jit3A_460 = arith.constant 256 : i32
    %max3A_461 = vector.broadcast %jit3A_459 : i32 to vector<1x128xi32>
    %max3A_462 = arith.maxsi %max3A_461, %sub3A_458 : vector<1x128xi32>
    %min3A_463 = vector.broadcast %jit3A_460 : i32 to vector<1x128xi32>
    %min3A_464 = arith.minsi %min3A_463, %max3A_462 : vector<1x128xi32>
    %jit3A_465 = arith.constant 0 : i32
    %broadcast_in_dim3A_466 = vector.broadcast %jit3A_465 : i32 to vector<1x128xi32>
    %select_n3A_467 = arith.select %lt3A_386, %min3A_464, %broadcast_in_dim3A_466 : vector<1x128xi1>, vector<1x128xi32>
    %eq3A_468 = arith.constant 0 : i32
    %eq3A_469 = vector.broadcast %eq3A_468 : i32 to vector<1x128xi32>
    %eq3A_470 = arith.cmpi eq, %min3A_453, %eq3A_469 : vector<1x128xi32>
    %and3A_471 = arith.andi %eq3A_470, %lt3A_386 : vector<1x128xi1>
    %lt3A_472 = arith.constant 71 : i32
    %lt3A_473 = vector.broadcast %lt3A_472 : i32 to vector<1x128xi32>
    %lt3A_474 = arith.cmpi slt, %iota3A_384, %lt3A_473 : vector<1x128xi32>
    %and3A_475 = arith.andi %and3A_471, %lt3A_474 : vector<1x128xi1>
    %convert_element_type3A_476 = arith.extui %and3A_475 : vector<1x128xi1> to vector<1x128xi32>
    %broadcast_in_dim3A_477 = arith.constant 0 : i32
    %broadcast_in_dim3A_478 = vector.broadcast %broadcast_in_dim3A_477 : i32 to vector<3x128xi32>
    %concatenate3A_479 = tpu.concatenate %select_n3A_409, %select_n3A_444, %min3A_453, %select_n3A_467, %convert_element_type3A_476, %broadcast_in_dim3A_478 in 0 : vector<1x128xi32>, vector<1x128xi32>, vector<1x128xi32>, vector<1x128xi32>, vector<1x128xi32>, vector<3x128xi32> -> vector<8x128xi32>
    %swap3A_480 = arith.constant 0 : index
    %swap3A_481 = arith.constant 0 : index
    %swap3A_482 = vector.load %arg3[%swap3A_480, %swap3A_481] : memref<8x128xi32, #tpu.memory_space<vmem>>, vector<8x128xi32>
    tpu.vector_store %arg3[%swap3A_480, %swap3A_481], %concatenate3A_479 {strides = array<i32>} : memref<8x128xi32, #tpu.memory_space<vmem>>, vector<8x128xi32>,
    return
  }
}

</mosaic_0001>

<sc_bundles>
// kernel: kernel.6.cloned.1.call-start
scs
__scs_entry_jumppad:
0x0: {  	(pc) =	sbr.rel $0x88, $3  }
0x1: {  	(tag) =	ssettag $0x0;
	lr =	simm.s32 $0x1  }
0x2: {  	[smem:$0x3F9C] =	sst lr;
	_ =	strace $0xD0000000  }
0x3: {  	_ = 	snop  }
0x4: {  	_ = 	snop  }
0x5: {  	_ = 	snop  }
0x6: {  	_ = 	snop  }
0x7: {  	_ = 	snop  }
__scs_overlays_trampoline_lowered:
0x8: {  	[smem:$0x3FAB] =	sst s0  }
0x9: {  	[smem:$0x3FAC] =	sst s1  }
0xa: {  	[smem:$0x3FAD] =	sst s2  }
0xb: {  	[smem:$0x3FAE] =	sst s3  }
0xc: {  	[smem:$0x3FAF] =	sst s4  }
0xd: {  	[smem:$0x3FB0] =	sst s5  }
0xe: {  	[smem:$0x3FB1] =	sst s6  }
0xf: {  	[smem:$0x3FB2] =	sst s7  }
0x10: {  	[smem:$0x3FB3] =	sst s8  }
0x11: {  	[smem:$0x3FB4] =	sst s9;
	s0 =	simm.s32 @!p0 $0x0  }
0x12: {  	s1 =	sld [smem:$0x3F9A];
	s0 =	simm.s32 @p0 $0x1  }
0x13: {  	[smem:$0x3FB5] =	sst s0;
	s0 =	simm.s32 @!p1 $0x0  }
0x14: {  	s2 =	sld [smem:$0x3F99];
	s0 =	simm.s32 @p1 $0x1  }
0x15: {  	[smem:$0x3FB6] =	sst s0;
	s0 =	simm.s32 @!p2 $0x0  }
0x16: {  	s3 =	sld [smem:$0x3FDB];
	s0 =	simm.s32 @p2 $0x1  }
0x17: {  	s4 =	simm.s32 $0x1BF5;
	[smem:$0x3FB8] =	sst s0  }
0x18: {  	s0 =	sld [smem:$0x3F9B];
	_ =	swait.ge [sflag:s4], $0x0  }
0x19: {  	s7 =	sld [smem:$0x3F9C]  }
0x1a: {  	s8 =	sadd.s32 $0xFFFFE003, lr  }
0x1b: {  	s9 =	sadd.s32 $0xFFFFFEF7, lr;
	s5 =	simm.s32 $0xFFFFFFFF;
	p2 =	slt.u32 s8, $0xFFFFF086  }
0x1c: {  	p1 =	slt.u32 s9, $0xF7A;
	s5 =	simm.s32 @!p2 $0x0  }
0x1d: {  	s5 =	simm.s32 @p1 $0x1;
	p0 =	seq.s32 s7, s2  }
0x1e: {  	s7 =	smul.u32 @!p0 $0xF7A, s2;
	p2 =	seq.s32 @!p0 s5, $0x0  }
0x1f: {  	s9 =	smul.u32 $0xF7A, s1;
	s8 =	simm.s32 @!p0 $0x1BF5;
	p2 =	por !p2, p0  }
0x20: {  	[sflag:s8] =	ssyncset.s32 @!p0 $0xFFFFF086;
	s6 =	sadd.s32 @!p0 s3, s7;
	s7 =	simm.s32 @!p0 $0x108  }
0x21: {  	s3 =	sadd.s32 s3, s9;
	s6 =	sadd.s32 @!p0 $0x88, s6;
	s7 =	simm.s32 @p2 $0x1082  }
0x22: {  	[simem:s7], [sflag:s8] =	dma.local @!p0 [hbm:s6], $0xF7A  }
0x23: {  	s9 =	sor.u32 $0xD0000000, s2;
	s6 =	simm.s32 $0x108;
	_ =	swait.ge @!p0 [sflag:s8], $0x0  }
0x24: {  	s3 =	sadd.s32 $0x88, s3;
	s6 =	simm.s32 @!p1 $0x1082;
	[sflag:s4] =	ssyncset.s32 $0xFFFFF086  }
0x25: {  	[simem:s6], [sflag:s4] =	dma.local [hbm:s3], $0xF7A  }
0x26: {  	[smem:$0x3F9C] =	sst s1;
	(tag) =	ssettag s2;
	_ =	strace s9  }
0x27: {  	s1 =	sld [smem:$0x3FAC]  }
0x28: {  	s2 =	sld [smem:$0x3FAD]  }
0x29: {  	s4 =	sld [smem:$0x3FAF]  }
0x2a: {  	p0 =	seq.s32 s5, $0x0;
	s5 =	sld [smem:$0x3FB0]  }
0x2b: {  	s6 =	sld [smem:$0x3FB1]  }
0x2c: {  	s7 =	sld [smem:$0x3FB2]  }
0x2d: {  	s3 =	simm.s32 $0x108;
	s8 =	sld [smem:$0x3FB3]  }
0x2e: {  	s3 =	simm.s32 @!p0 $0x1082;
	s9 =	sld [smem:$0x3FB4]  }
0x2f: {  	lr =	sadd.s32 s0, s3;
	s0 =	sld [smem:$0x3FAB]  }
0x30: {  	s3 =	sld [smem:$0x3FAE]  }
0x31: {  	[smem:$0x3FB7] =	sst s10  }
0x32: {  	s10 =	sld [smem:$0x3FB5];
	_ =	sdelay $0x3  }
0x33: {  	p0 =	seq.s32 s10, $0x1;
	s10 =	sld [smem:$0x3FB7];
	_ =	sdelay $0x3  }
0x34: {  	[smem:$0x3FB7] =	sst s10  }
0x35: {  	s10 =	sld [smem:$0x3FB6];
	_ =	sdelay $0x3  }
0x36: {  	p1 =	seq.s32 s10, $0x1;
	s10 =	sld [smem:$0x3FB7];
	_ =	sdelay $0x3  }
0x37: {  	[smem:$0x3FB7] =	sst s10  }
0x38: {  	s10 =	sld [smem:$0x3FB8]  }
0x39: {  	_ = 	snop;
	(pc) =	sbr.ind lr, $3  }
0x3a: {  	_ = 	snop  }
0x3b: {  	_ = 	snop  }
0x3c: {  	p2 =	seq.s32 s10, $0x1;
	s10 =	sld [smem:$0x3FB7]  }
0x3d: {  	_ =	shalt  }
0x3e: {  	_ =	shalt  }
0x3f: {  	_ =	shalt  }
0x40: {  	_ =	shalt  }
0x41: {  	_ =	shalt  }
0x42: {  	_ =	shalt  }
0x43: {  	_ =	shalt  }
0x44: {  	_ =	shalt  }
0x45: {  	_ =	shalt  }
0x46: {  	_ =	shalt  }
0x47: {  	_ =	shalt  }
0x48: {  	_ =	shalt  }
0x49: {  	_ =	shalt  }
0x4a: {  	_ =	shalt  }
0x4b: {  	_ =	shalt  }
0x4c: {  	_ =	shalt  }
0x4d: {  	_ =	shalt  }
0x4e: {  	_ =	shalt  }
0x4f: {  	_ =	shalt  }
0x50: {  	_ =	shalt  }
0x51: {  	_ =	shalt  }
0x52: {  	_ =	shalt  }
0x53: {  	_ =	shalt  }
0x54: {  	_ =	shalt  }
0x55: {  	_ =	shalt  }
0x56: {  	_ =	shalt  }
0x57: {  	_ =	shalt  }
0x58: {  	_ =	shalt  }
0x59: {  	_ =	shalt  }
0x5a: {  	_ =	shalt  }
0x5b: {  	_ =	shalt  }
0x5c: {  	_ =	shalt  }
0x5d: {  	_ =	shalt  }
0x5e: {  	_ =	shalt  }
0x5f: {  	_ =	shalt  }
0x60: {  	_ =	shalt  }
0x61: {  	_ =	shalt  }
0x62: {  	_ =	shalt  }
0x63: {  	_ =	shalt  }
0x64: {  	_ =	shalt  }
0x65: {  	_ =	shalt  }
0x66: {  	_ =	shalt  }
0x67: {  	_ =	shalt  }
0x68: {  	_ =	shalt  }
0x69: {  	_ =	shalt  }
0x6a: {  	_ =	shalt  }
0x6b: {  	_ =	shalt  }
0x6c: {  	_ =	shalt  }
0x6d: {  	_ =	shalt  }
0x6e: {  	_ =	shalt  }
0x6f: {  	_ =	shalt  }
0x70: {  	_ =	shalt  }
0x71: {  	_ =	shalt  }
0x72: {  	_ =	shalt  }
0x73: {  	_ =	shalt  }
0x74: {  	_ =	shalt  }
0x75: {  	_ =	shalt  }
0x76: {  	_ =	shalt  }
0x77: {  	_ =	shalt  }
0x78: {  	_ =	shalt  }
0x79: {  	_ =	shalt  }
0x7a: {  	_ =	shalt  }
0x7b: {  	_ =	shalt  }
0x7c: {  	_ =	shalt  }
0x7d: {  	_ =	shalt  }
0x7e: {  	_ =	shalt  }
0x7f: {  	_ =	shalt  }
0x80: {  	_ =	shalt  }
0x81: {  	_ =	shalt  }
0x82: {  	_ =	shalt  }
0x83: {  	_ =	shalt  }
0x84: {  	_ =	shalt  }
0x85: {  	_ =	shalt  }
0x86: {  	_ =	shalt  }
0x87: {  	_ =	shalt  }
.Lfunc_end0:
.L_simem_size_0:
called_computation_lowered:
.L_overlay_start_0:
0x88: {  	s2 =	sld [smem:$0x3FD9]  }
0x89: {  	s3 =	sld [smem:$0x3FFE];
	_ =	sdelay $0x1  }
0x8a: {  	s1 =	srdreg.scid  }
0x8b: {  	s0 =	sand.u32 $0x1, s1  }
0x8c: {  	s17 =	sshll.u32 s0, $0xA;
	s2 =	sadd.s32 s3, s2  }
0x8d: {  	s2 =	sadd.s32 s2, s17  }
0x8e: {  	[smem:$0x3FC3] =	sst s2  }
0x8f: {  	_ = 	snop  }
0x90: {  	s2 =	sld [smem:$0x3FC9]  }
0x91: {  	s18 =	sld [smem:$0x3FD0];
	(tm) =	ssettm $0x1  }
0x92: {  	s4 =	sld [smem:$0x3FFB];
	_ =	sdelay $0x3  }
0x93: {  	_ =	strace s4  }
0x94: {  	s4 =	sld [smem:$0x3FFC];
	_ =	sdelay $0x3  }
0x95: {  	_ =	strace s4  }
0x96: {  	s4 =	sld [smem:$0x3FFD];
	_ =	sdelay $0x3  }
0x97: {  	_ =	strace s4  }
0x98: {  	_ =	strace $0x8FFFFFFF  }
0x99: {  	s19 =	sld [smem:$0x3FDB];
	_ =	sdelay $0x1  }
0x9a: {  	s5 =	simm.s32 $_scs_section_size  }
0x9b: {  	s6 =	simm.s32 $_size__tile_overlayer_lowered;
	s7 =	simm.s32 $_tile_overlayer_lowered  }
0x9c: {  	s22 =	simm.s32 $0x1BFF;
	s21 =	sshll.u32 s7, $0x1;
	s4 =	sadd.s32 s5, s19  }
0x9d: {  	s8 =	simm.s32 $0x0;
	s20 =	sshll.u32 s6, $0x1;
	s6 =	sadd.s32 s21, s4  }
0x9e: {  	[timem:s8], [sflag:s22] =	dma.local [hbm:s6], s20  }
0x9f: {  	_ =	swait.ge [sflag:s22], s20  }
0xa0: {  	s5 =	ssub.s32 $0x0, s20;
	[sflag:s22] =	ssyncset.done $0x0  }
0xa1: {  	[sflag:s22] =	ssyncadd.s32 s5;
	_ =	sdelay $0x1  }
0xa2: {  	s23 =	simm.s32 $0x1B8B  }
0xa3: {  	_ =	swait.ge [sflag:s23], $0x1  }
0xa4: {  	[sflag:s23] =	ssyncset.done $0x0  }
0xa5: {  	s25 =	simm.s32 $0x1B8E;
	s24 =	sld [smem:$0x3FFE];
	[sflag:s23] =	ssyncadd.s32 $0xFFFFFFFF  }
0xa6: {  	s26 =	simm.s32 $execute0_lowered;
	[smem:$0x3FD2] =	sst s25  }
0xa7: {  	s6 =	sshll.u32 s26, $0x1;
	_ =	strace $0x80000046;
	[dreg:$0x1] =	wrdreg $0xFFFFFFFF  }
0xa8: {  	s28 =	simm.s32 $_size_execute0_lowered;
	s4 =	sadd.s32 s4, s6;
	[dreg:$0x0] =	wrdreg $0x0  }
0xa9: {  	s6 =	sshll.u32 s28, $0x1;
	[dreg:$0x2] =	wrdreg s4  }
0xaa: {  	[dreg:$0x3] =	wrdreg s6  }
0xab: {  	[dreg:$0x4] =	wrdreg $0xC0  }
0xac: {  	_ =	task [dreg:s8], $0x5FFFF  }
0xad: {  	[dreg:$0x1] =	wrdreg $0xFFFFFFFF  }
0xae: {  	[dreg:$0x0] =	wrdreg $0x60  }
0xaf: {  	[dreg:$0x2] =	wrdreg s2  }
0xb0: {  	[dreg:$0x3] =	wrdreg s24  }
0xb1: {  	[dreg:$0x4] =	wrdreg s18  }
0xb2: {  	[dreg:$0x5] =	wrdreg $0x9  }
0xb3: {  	_ =	task.clear_ibuf [dreg:s8], $0x6FFFF;
	_ =	strace $0x90000046  }
0xb4: {  	s29 =	simm.s32 $0x9;
	_ =	strace $0x80000048  }
0xb5: {  	_ =	swait.ge [sflag:s29], $0x1  }
0xb6: {  	[sflag:s29] =	ssyncadd.s32 $0xFFFFFFFF  }
0xb7: {  	_ =	strace $0x90000048  }
0xb8: {  	_ =	sfence  }
0xb9: {  	s30 =	sld [smem:$0x0];
	_ =	sdelay $0x2  }
0xba: {  	s31 =	sshll.u32 s1, $0xD;
	s1 =	sshrl.u32 s1, $0x2  }
0xbb: {  	s3 =	sand.u32 $0x4000, s31;
	s1 =	sadd.s32 s1, s30  }
0xbc: {  	s0 =	sor.u32 s3, s0;
	s1 =	sshll.u32 s1, $0x11  }
0xbd: {  	s0 =	sor.u32 s1, s0  }
0xbe: {  	s0 =	sadd.s32 $0x8F2B, s0  }
0xbf: {  	[sflag:s0] =	ssyncadd.remote.s32 $0x1  }
0xc0: {  	_ =	sfence.sel $0xFFFF  }
0xc1: {  	[dreg:$0x0] =	wrdreg $0xFFFFFFFF;
	(pc) =	sbr.abs _section_cstart, $3  }
0xc2: {  	[dreg:$0x1] =	wrdreg $0xFFFFFFFF  }
0xc3: {  	_ =	task.clear_ibuf [dreg:s8], $0x2FFFF;
	_ =	strace $0x9FFFFFFF  }
0xc4: {  	(tm) =	ssettm $0x7FFFFFFF  }
0xc5: {  	_ =	shalt  }
tec
execute0_lowered:
.L_overlay_start_1:
0x0: {  	(tag) =	ssettag $0x1  }
0x1: {  	s4 =	rddreg [dreg:$0x0]  }
0x2: {  	s1 =	srdreg.scid;
	s5 =	rddreg [dreg:$0x1]  }
0x3: {  	s0 =	stileid.u32;
	s2 =	rddreg [dreg:$0x2];
	s17 =	simm.s32 $0x880  }
0x4: {  	s18 =	simm.s32 $0x1080;
	s19 =	simm.s32 $0x1880;
	s21 =	simm.s32 $0x2080  }
0x5: {  	s22 =	simm.s32 $0x2880;
	s23 =	simm.s32 $0x3080;
	s24 =	simm.s32 $0x3880  }
0x6: {  	s8 =	simm.s32 $0x4080;
	s25 =	simm.s32 $0x4880;
	s1 =	sand.u32 $0x1, s1  }
0x7: {  	s26 =	simm.s32 $0x5080;
	s3 =	sshll.u32 s0, $0x7;
	s6 =	sshll.u32 s1, $0x6  }
0x8: {  	s9 =	simm.s32 $0x80;
	s6 =	sor.u32 s6, s3;
	s3 =	simm.s32 $0x0  }
0x9: {  	s11 =	simm.s32 $0x6080;
	s12 =	simm.s32 $0x6880;
	[smem:$0x7FF] =	sst s3  }
0xa: {  	s13 =	simm.s32 $0x7080;
	_ =	strace $0x80000047;
	[dreg:$0x6] =	wrdreg s17  }
0xb: {  	s14 =	simm.s32 $0x7880;
	s15 =	simm.s32 $0x8080;
	[dreg:$0x7] =	wrdreg s18  }
0xc: {  	s16 =	simm.s32 $0x8880;
	s28 =	simm.s32 $0xE080;
	[dreg:$0x8] =	wrdreg s19  }
0xd: {  	s29 =	simm.s32 $0xE880;
	s30 =	simm.s32 $0xF080;
	[dreg:$0x9] =	wrdreg s21  }
0xe: {  	s31 =	simm.s32 $0xF880;
	s1 =	ssub.s32 $0x2, s1;
	[dreg:$0xa] =	wrdreg s22  }
0xf: {  	s20 =	sshrl.u32 s1, $0x1;
	s7 =	sshrl.u32 s6, $0x3;
	[dreg:$0xb] =	wrdreg s23  }
0x10: {  	s6 =	sshll.u32 s6, $0x7;
	s1 =	ssub.s32 s1, s20;
	[dreg:$0xc] =	wrdreg s24  }
0x11: {  	s20 =	simm.s32 $0xA880;
	s5 =	sadd.s32 s7, s5;
	[dreg:$0xd] =	wrdreg s8  }
0x12: {  	s4 =	sadd.s32 s4, s6;
	s6 =	sadd.s32 $0x300, s2;
	[dreg:$0xe] =	wrdreg s25  }
0x13: {  	s7 =	smax.u32 s1, $0x1;
	s8 =	simm.s32 $0x2;
	[dreg:$0xf] =	wrdreg s26  }
0x14: {  	s17 =	simm.s32 $0x9080;
	s18 =	simm.s32 $0x9880;
	s19 =	simm.s32 $0xA080  }
0x15: {  	s21 =	simm.s32 $0xB080;
	s22 =	simm.s32 $0xB880;
	s23 =	simm.s32 $0xC080  }
0x16: {  	v2 =	vlaneseq.u32;
	s24 =	simm.s32 $0xC880;
	s25 =	simm.s32 $0xD080;
	s26 =	simm.s32 $0xD880  }
0x17: {  	vm0 =	vmmov $0xffff;
	v1 =	vshrl.u32 v2, $0x3;
	s1 =	simm.s32 $0x1;
	s5 =	sadd.s32 $0x1200, s5;
	[dreg:$0x5] =	wrdreg s4  }
0x18: {  	v0 =	vand.u32 $0x7, v2;
	v2 =	vor.u32 $0x8, v2;
	v1 =	vmul.u32 $0x8, v1;
	s4 =	sadd.s32 $0x100, s2;
	[dreg:$0x4] =	wrdreg s5;
	s5 =	sadd.s32 $0x200, s2  }
.LBB2_1:
0x19: {  	s0 =	rddreg [dreg:$0x4]  }
0x1a: {  	[tilespmem:s3], [sflag:$0x2] =	stream.linear.gather [hbm4b:s0+s3], $0x40, $0x38;
	[tilespmem:$0x10080] =	vst v63  }
0x1b: {  	_ =	swait.ge [sflag:s8], $0x40  }
0x1c: {  	[sflag:s8] =	ssyncset.done $0x0  }
0x1d: {  	s10 =	rddreg [dreg:$0x5];
	[sflag:s8] =	ssyncadd.s32 $0xFFFFFFC0  }
0x1e: {  	[tilespmem:s9], [sflag:$0x2] =	stream.linear.gather [hbm4b:s10+s3], $0x10000, $0x38;
	[tilespmem:$0x10080] =	vst v63  }
0x1f: {  	_ =	swait.ge [sflag:s8], $0x10000  }
0x20: {  	[sflag:s8] =	ssyncset.done $0x0  }
0x21: {  	[sflag:s8] =	ssyncadd.s32 $0xFFFF0000  }
0x22: {  	v3 =	vld [tilespmem:$0x0];
	_ =	sdelay $0x4  }
0x23: {  	v4 =	vshll.u32 v3, $0x3  }
0x24: {  	v3 =	vand.u32 $0x7, v3;
	v4 =	vand.u32 $0xFFFFFFC0, v4  }
0x25: {  	v3 =	vor.u32 v3, v4  }
0x26: {  	v4 =	vperm.xlane v3, v0;
	_ =	sdelay $0x1  }
0x27: {  	v4 =	vadd.s32 v1, v4;
	_ =	sdelay $0x4  }
0x28: {  	[hbm4b:s2+s3] =	stream.indirect_vreg.scatter [tilespmem:s9], [sflag:$0x1], $0x80, v4, vm0, $0xb8;
	[tilespmem:$0x10080] =	vst v63  }
0x29: {  	s0 =	rddreg [dreg:$0x6];
	v3 =	vperm.xlane v3, v2  }
0x2a: {  	[hbm4b:s4+s3] =	stream.indirect_vreg.scatter [tilespmem:s0], [sflag:$0x1], $0x80, v4, vm0, $0xb8;
	[tilespmem:$0x10080] =	vst v63  }
0x2b: {  	s10 =	rddreg [dreg:$0x7];
	v3 =	vadd.s32 v1, v3  }
0x2c: {  	[hbm4b:s5+s3] =	stream.indirect_vreg.scatter [tilespmem:s10], [sflag:$0x1], $0x80, v4, vm0, $0xb8;
	[tilespmem:$0x10080] =	vst v63  }
0x2d: {  	s0 =	rddreg [dreg:$0x8]  }
0x2e: {  	[hbm4b:s6+s3] =	stream.indirect_vreg.scatter [tilespmem:s0], [sflag:$0x1], $0x80, v4, vm0, $0xb8;
	[tilespmem:$0x10080] =	vst v63  }
0x2f: {  	s10 =	rddreg [dreg:$0x9]  }
0x30: {  	[hbm4b:s2+s3] =	stream.indirect_vreg.scatter [tilespmem:s10], [sflag:$0x1], $0x80, v3, vm0, $0xb8;
	[tilespmem:$0x10080] =	vst v63  }
0x31: {  	s0 =	rddreg [dreg:$0xa]  }
0x32: {  	[hbm4b:s4+s3] =	stream.indirect_vreg.scatter [tilespmem:s0], [sflag:$0x1], $0x80, v3, vm0, $0xb8;
	[tilespmem:$0x10080] =	vst v63  }
0x33: {  	s10 =	rddreg [dreg:$0xb]  }
0x34: {  	[hbm4b:s5+s3] =	stream.indirect_vreg.scatter [tilespmem:s10], [sflag:$0x1], $0x80, v3, vm0, $0xb8;
	[tilespmem:$0x10080] =	vst v63  }
0x35: {  	s0 =	rddreg [dreg:$0xc]  }
0x36: {  	[hbm4b:s6+s3] =	stream.indirect_vreg.scatter [tilespmem:s0], [sflag:$0x1], $0x80, v3, vm0, $0xb8;
	[tilespmem:$0x10080] =	vst v63  }
0x37: {  	v3 =	vld [tilespmem:$0x10];
	_ =	sdelay $0x4  }
0x38: {  	v61 =	vshll.u32 v3, $0x3  }
0x39: {  	v3 =	vand.u32 $0x7, v3;
	v4 =	vand.u32 $0xFFFFFFC0, v61  }
0x3a: {  	v3 =	vor.u32 v3, v4  }
0x3b: {  	v4 =	vperm.xlane v3, v0;
	_ =	sdelay $0x1  }
0x3c: {  	v4 =	vadd.s32 v1, v4;
	_ =	sdelay $0x3  }
0x3d: {  	s0 =	rddreg [dreg:$0xd]  }
0x3e: {  	[hbm4b:s2+s3] =	stream.indirect_vreg.scatter [tilespmem:s0], [sflag:$0x1], $0x80, v4, vm0, $0xb8;
	[tilespmem:$0x10080] =	vst v63  }
0x3f: {  	s10 =	rddreg [dreg:$0xe];
	v3 =	vperm.xlane v3, v2  }
0x40: {  	[hbm4b:s4+s3] =	stream.indirect_vreg.scatter [tilespmem:s10], [sflag:$0x1], $0x80, v4, vm0, $0xb8;
	[tilespmem:$0x10080] =	vst v63  }
0x41: {  	v3 =	vadd.s32 v1, v3;
	s0 =	rddreg [dreg:$0xf]  }
0x42: {  	[hbm4b:s5+s3] =	stream.indirect_vreg.scatter [tilespmem:s0], [sflag:$0x1], $0x80, v4, vm0, $0xb8;
	[tilespmem:$0x10080] =	vst v63  }
0x43: {  	s10 =	simm.s32 $0x5880  }
0x44: {  	[hbm4b:s6+s3] =	stream.indirect_vreg.scatter [tilespmem:s10], [sflag:$0x1], $0x80, v4, vm0, $0xb8;
	[tilespmem:$0x10080] =	vst v63  }
0x45: {  	_ = 	snop  }
0x46: {  	[hbm4b:s2+s3] =	stream.indirect_vreg.scatter [tilespmem:s11], [sflag:$0x1], $0x80, v3, vm0, $0xb8;
	[tilespmem:$0x10080] =	vst v63  }
0x47: {  	_ = 	snop  }
0x48: {  	[hbm4b:s4+s3] =	stream.indirect_vreg.scatter [tilespmem:s12], [sflag:$0x1], $0x80, v3, vm0, $0xb8;
	[tilespmem:$0x10080] =	vst v63  }
0x49: {  	_ = 	snop  }
0x4a: {  	[hbm4b:s5+s3] =	stream.indirect_vreg.scatter [tilespmem:s13], [sflag:$0x1], $0x80, v3, vm0, $0xb8;
	[tilespmem:$0x10080] =	vst v63  }
0x4b: {  	_ = 	snop  }
0x4c: {  	[hbm4b:s6+s3] =	stream.indirect_vreg.scatter [tilespmem:s14], [sflag:$0x1], $0x80, v3, vm0, $0xb8;
	[tilespmem:$0x10080] =	vst v63  }
0x4d: {  	v3 =	vld [tilespmem:$0x20];
	_ =	sdelay $0x4  }
0x4e: {  	v62 =	vshll.u32 v3, $0x3  }
0x4f: {  	v3 =	vand.u32 $0x7, v3;
	v4 =	vand.u32 $0xFFFFFFC0, v62  }
0x50: {  	v3 =	vor.u32 v3, v4  }
0x51: {  	v4 =	vperm.xlane v3, v0;
	_ =	sdelay $0x1  }
0x52: {  	v4 =	vadd.s32 v1, v4;
	_ =	sdelay $0x4  }
0x53: {  	[hbm4b:s2+s3] =	stream.indirect_vreg.scatter [tilespmem:s15], [sflag:$0x1], $0x80, v4, vm0, $0xb8;
	[tilespmem:$0x10080] =	vst v63  }
0x54: {  	v3 =	vperm.xlane v3, v2  }
0x55: {  	[hbm4b:s4+s3] =	stream.indirect_vreg.scatter [tilespmem:s16], [sflag:$0x1], $0x80, v4, vm0, $0xb8;
	[tilespmem:$0x10080] =	vst v63  }
0x56: {  	v3 =	vadd.s32 v1, v3  }
0x57: {  	[hbm4b:s5+s3] =	stream.indirect_vreg.scatter [tilespmem:s17], [sflag:$0x1], $0x80, v4, vm0, $0xb8;
	[tilespmem:$0x10080] =	vst v63  }
0x58: {  	_ = 	snop  }
0x59: {  	[hbm4b:s6+s3] =	stream.indirect_vreg.scatter [tilespmem:s18], [sflag:$0x1], $0x80, v4, vm0, $0xb8;
	[tilespmem:$0x10080] =	vst v63  }
0x5a: {  	_ = 	snop  }
0x5b: {  	[hbm4b:s2+s3] =	stream.indirect_vreg.scatter [tilespmem:s19], [sflag:$0x1], $0x80, v3, vm0, $0xb8;
	[tilespmem:$0x10080] =	vst v63  }
0x5c: {  	_ = 	snop  }
0x5d: {  	[hbm4b:s4+s3] =	stream.indirect_vreg.scatter [tilespmem:s20], [sflag:$0x1], $0x80, v3, vm0, $0xb8;
	[tilespmem:$0x10080] =	vst v63  }
0x5e: {  	_ = 	snop  }
0x5f: {  	[hbm4b:s5+s3] =	stream.indirect_vreg.scatter [tilespmem:s21], [sflag:$0x1], $0x80, v3, vm0, $0xb8;
	[tilespmem:$0x10080] =	vst v63  }
0x60: {  	_ = 	snop  }
0x61: {  	[hbm4b:s6+s3] =	stream.indirect_vreg.scatter [tilespmem:s22], [sflag:$0x1], $0x80, v3, vm0, $0xb8;
	[tilespmem:$0x10080] =	vst v63  }
0x62: {  	v3 =	vld [tilespmem:$0x30];
	_ =	sdelay $0x4  }
0x63: {  	v63 =	vshll.u32 v3, $0x3  }
0x64: {  	v3 =	vand.u32 $0x7, v3;
	v4 =	vand.u32 $0xFFFFFFC0, v63  }
0x65: {  	v3 =	vor.u32 v3, v4  }
0x66: {  	v4 =	vperm.xlane v3, v0;
	_ =	sdelay $0x1  }
0x67: {  	v4 =	vadd.s32 v1, v4;
	_ =	sdelay $0x4  }
0x68: {  	[hbm4b:s2+s3] =	stream.indirect_vreg.scatter [tilespmem:s23], [sflag:$0x1], $0x80, v4, vm0, $0xb8;
	[tilespmem:$0x10080] =	vst v63  }
0x69: {  	v3 =	vperm.xlane v3, v2  }
0x6a: {  	[hbm4b:s4+s3] =	stream.indirect_vreg.scatter [tilespmem:s24], [sflag:$0x1], $0x80, v4, vm0, $0xb8;
	[tilespmem:$0x10080] =	vst v63  }
0x6b: {  	v3 =	vadd.s32 v1, v3  }
0x6c: {  	[hbm4b:s5+s3] =	stream.indirect_vreg.scatter [tilespmem:s25], [sflag:$0x1], $0x80, v4, vm0, $0xb8;
	[tilespmem:$0x10080] =	vst v63  }
0x6d: {  	_ = 	snop  }
0x6e: {  	[hbm4b:s6+s3] =	stream.indirect_vreg.scatter [tilespmem:s26], [sflag:$0x1], $0x80, v4, vm0, $0xb8;
	[tilespmem:$0x10080] =	vst v63  }
0x6f: {  	_ = 	snop  }
0x70: {  	[hbm4b:s2+s3] =	stream.indirect_vreg.scatter [tilespmem:s28], [sflag:$0x1], $0x80, v3, vm0, $0xb8;
	[tilespmem:$0x10080] =	vst v63  }
0x71: {  	_ = 	snop  }
0x72: {  	[hbm4b:s4+s3] =	stream.indirect_vreg.scatter [tilespmem:s29], [sflag:$0x1], $0x80, v3, vm0, $0xb8;
	[tilespmem:$0x10080] =	vst v63  }
0x73: {  	p0 =	sne.s32 s7, $0x1  }
0x74: {  	[hbm4b:s5+s3] =	stream.indirect_vreg.scatter [tilespmem:s30], [sflag:$0x1], $0x80, v3, vm0, $0xb8;
	[tilespmem:$0x10080] =	vst v63  }
.Ltmp0:
0x75: {  	_ = 	snop;
	(pc) =	sbr.rel @p0 .LBB2_1-.Ltmp0, $4  }
0x76: {  	[hbm4b:s6+s3] =	stream.indirect_vreg.scatter [tilespmem:s31], [sflag:$0x1], $0x80, v3, vm0, $0xb8;
	[tilespmem:$0x10080] =	vst v63  }
0x77: {  	_ =	swait.ge [sflag:s1], $0x10000  }
0x78: {  	[sflag:s1] =	ssyncset.done $0x0  }
0x79: {  	s7 =	sadd.s32 $0xFFFFFFFF, s7;
	[sflag:s1] =	ssyncadd.s32 $0xFFFF0000  }
0x7a: {  	_ =	sfence.sel $0x180000  }
0x7b: {  	[bflag:$0x0] =	sbarrier.arrive $0xFFFF  }
0x7c: {  	_ =	strace $0x90000047  }
0x7d: {  	s0 =	stileid.u32;
	[bflag:$0x2] =	sbarrier.arrive $0xFFFF  }
0x7e: {  	p0 =	sne.s32 s0, $0x0;
	s0 =	rddreg [dreg:$0x3]  }
0x7f: {  	s0 =	sadd.s32 @!p0 $0x100000, s0  }
0x80: {  	[sflag:s0] =	ssyncadd.tile.s32 @!p0 $0x1;
	_ =	shalt  }
.Lfunc_end2:
_tile_overlayer_lowered:
.L_overlay_start_2:
0x81: {  	(tag) =	ssettag $0x2  }
0x82: {  	s0 =	rddreg [dreg:$0x0];
	s2 =	stileid.u32  }
0x83: {  	s1 =	rddreg [dreg:$0x1];
	p0 =	sne.s32 s2, $0x0  }
0x84: {  	s3 =	rddreg [dreg:$0x2];
	[bflag:$0x3] =	sbarrier.arrive $0xFFFF;
	s2 =	simm.s32 @!p0 $0x1C02  }
0x85: {  	[timem:s3], [sflag:s2] =	dma.local @!p0 [hbm:s0], s1  }
0x86: {  	s0 =	simm.s32 @!p0 $0x2  }
0x87: {  	_ =	swait.ge @!p0 [sflag:s0], s1  }
0x88: {  	s1 =	ssub.s32 @!p0 $0x0, s1;
	[sflag:s0] =	ssyncset.done @!p0 $0x0  }
0x89: {  	[sflag:s0] =	ssyncadd.s32 @!p0 s1  }
0x8a: {  	[bflag:$0x3] =	sbarrier.arrive $0xFFFF  }
0x8b: {  	_ =	shalt  }

// kernel: kernel.9.cloned.1.call-start
scs
__scs_entry_jumppad:
0x0: {  	(pc) =	sbr.rel $0x88, $3  }
0x1: {  	(tag) =	ssettag $0x0;
	lr =	simm.s32 $0x1  }
0x2: {  	[smem:$0x3F9C] =	sst lr;
	_ =	strace $0xD0000000  }
0x3: {  	_ = 	snop  }
0x4: {  	_ = 	snop  }
0x5: {  	_ = 	snop  }
0x6: {  	_ = 	snop  }
0x7: {  	_ = 	snop  }
__scs_overlays_trampoline_lowered:
0x8: {  	[smem:$0x3FAB] =	sst s0  }
0x9: {  	[smem:$0x3FAC] =	sst s1  }
0xa: {  	[smem:$0x3FAD] =	sst s2  }
0xb: {  	[smem:$0x3FAE] =	sst s3  }
0xc: {  	[smem:$0x3FAF] =	sst s4  }
0xd: {  	[smem:$0x3FB0] =	sst s5  }
0xe: {  	[smem:$0x3FB1] =	sst s6  }
0xf: {  	[smem:$0x3FB2] =	sst s7  }
0x10: {  	[smem:$0x3FB3] =	sst s8  }
0x11: {  	[smem:$0x3FB4] =	sst s9;
	s0 =	simm.s32 @!p0 $0x0  }
0x12: {  	s1 =	sld [smem:$0x3F9A];
	s0 =	simm.s32 @p0 $0x1  }
0x13: {  	[smem:$0x3FB5] =	sst s0;
	s0 =	simm.s32 @!p1 $0x0  }
0x14: {  	s2 =	sld [smem:$0x3F99];
	s0 =	simm.s32 @p1 $0x1  }
0x15: {  	[smem:$0x3FB6] =	sst s0;
	s0 =	simm.s32 @!p2 $0x0  }
0x16: {  	s3 =	sld [smem:$0x3FDB];
	s0 =	simm.s32 @p2 $0x1  }
0x17: {  	s4 =	simm.s32 $0x1BF5;
	[smem:$0x3FB8] =	sst s0  }
0x18: {  	s0 =	sld [smem:$0x3F9B];
	_ =	swait.ge [sflag:s4], $0x0  }
0x19: {  	s7 =	sld [smem:$0x3F9C]  }
0x1a: {  	s8 =	sadd.s32 $0xFFFFE003, lr  }
0x1b: {  	s9 =	sadd.s32 $0xFFFFFEF7, lr;
	s5 =	simm.s32 $0xFFFFFFFF;
	p2 =	slt.u32 s8, $0xFFFFF086  }
0x1c: {  	p1 =	slt.u32 s9, $0xF7A;
	s5 =	simm.s32 @!p2 $0x0  }
0x1d: {  	s5 =	simm.s32 @p1 $0x1;
	p0 =	seq.s32 s7, s2  }
0x1e: {  	s7 =	smul.u32 @!p0 $0xF7A, s2;
	p2 =	seq.s32 @!p0 s5, $0x0  }
0x1f: {  	s9 =	smul.u32 $0xF7A, s1;
	s8 =	simm.s32 @!p0 $0x1BF5;
	p2 =	por !p2, p0  }
0x20: {  	[sflag:s8] =	ssyncset.s32 @!p0 $0xFFFFF086;
	s6 =	sadd.s32 @!p0 s3, s7;
	s7 =	simm.s32 @!p0 $0x108  }
0x21: {  	s3 =	sadd.s32 s3, s9;
	s6 =	sadd.s32 @!p0 $0x88, s6;
	s7 =	simm.s32 @p2 $0x1082  }
0x22: {  	[simem:s7], [sflag:s8] =	dma.local @!p0 [hbm:s6], $0xF7A  }
0x23: {  	s9 =	sor.u32 $0xD0000000, s2;
	s6 =	simm.s32 $0x108;
	_ =	swait.ge @!p0 [sflag:s8], $0x0  }
0x24: {  	s3 =	sadd.s32 $0x88, s3;
	s6 =	simm.s32 @!p1 $0x1082;
	[sflag:s4] =	ssyncset.s32 $0xFFFFF086  }
0x25: {  	[simem:s6], [sflag:s4] =	dma.local [hbm:s3], $0xF7A  }
0x26: {  	[smem:$0x3F9C] =	sst s1;
	(tag) =	ssettag s2;
	_ =	strace s9  }
0x27: {  	s1 =	sld [smem:$0x3FAC]  }
0x28: {  	s2 =	sld [smem:$0x3FAD]  }
0x29: {  	s4 =	sld [smem:$0x3FAF]  }
0x2a: {  	p0 =	seq.s32 s5, $0x0;
	s5 =	sld [smem:$0x3FB0]  }
0x2b: {  	s6 =	sld [smem:$0x3FB1]  }
0x2c: {  	s7 =	sld [smem:$0x3FB2]  }
0x2d: {  	s3 =	simm.s32 $0x108;
	s8 =	sld [smem:$0x3FB3]  }
0x2e: {  	s3 =	simm.s32 @!p0 $0x1082;
	s9 =	sld [smem:$0x3FB4]  }
0x2f: {  	lr =	sadd.s32 s0, s3;
	s0 =	sld [smem:$0x3FAB]  }
0x30: {  	s3 =	sld [smem:$0x3FAE]  }
0x31: {  	[smem:$0x3FB7] =	sst s10  }
0x32: {  	s10 =	sld [smem:$0x3FB5];
	_ =	sdelay $0x3  }
0x33: {  	p0 =	seq.s32 s10, $0x1;
	s10 =	sld [smem:$0x3FB7];
	_ =	sdelay $0x3  }
0x34: {  	[smem:$0x3FB7] =	sst s10  }
0x35: {  	s10 =	sld [smem:$0x3FB6];
	_ =	sdelay $0x3  }
0x36: {  	p1 =	seq.s32 s10, $0x1;
	s10 =	sld [smem:$0x3FB7];
	_ =	sdelay $0x3  }
0x37: {  	[smem:$0x3FB7] =	sst s10  }
0x38: {  	s10 =	sld [smem:$0x3FB8]  }
0x39: {  	_ = 	snop;
	(pc) =	sbr.ind lr, $3  }
0x3a: {  	_ = 	snop  }
0x3b: {  	_ = 	snop  }
0x3c: {  	p2 =	seq.s32 s10, $0x1;
	s10 =	sld [smem:$0x3FB7]  }
0x3d: {  	_ =	shalt  }
0x3e: {  	_ =	shalt  }
0x3f: {  	_ =	shalt  }
0x40: {  	_ =	shalt  }
0x41: {  	_ =	shalt  }
0x42: {  	_ =	shalt  }
0x43: {  	_ =	shalt  }
0x44: {  	_ =	shalt  }
0x45: {  	_ =	shalt  }
0x46: {  	_ =	shalt  }
0x47: {  	_ =	shalt  }
0x48: {  	_ =	shalt  }
0x49: {  	_ =	shalt  }
0x4a: {  	_ =	shalt  }
0x4b: {  	_ =	shalt  }
0x4c: {  	_ =	shalt  }
0x4d: {  	_ =	shalt  }
0x4e: {  	_ =	shalt  }
0x4f: {  	_ =	shalt  }
0x50: {  	_ =	shalt  }
0x51: {  	_ =	shalt  }
0x52: {  	_ =	shalt  }
0x53: {  	_ =	shalt  }
0x54: {  	_ =	shalt  }
0x55: {  	_ =	shalt  }
0x56: {  	_ =	shalt  }
0x57: {  	_ =	shalt  }
0x58: {  	_ =	shalt  }
0x59: {  	_ =	shalt  }
0x5a: {  	_ =	shalt  }
0x5b: {  	_ =	shalt  }
0x5c: {  	_ =	shalt  }
0x5d: {  	_ =	shalt  }
0x5e: {  	_ =	shalt  }
0x5f: {  	_ =	shalt  }
0x60: {  	_ =	shalt  }
0x61: {  	_ =	shalt  }
0x62: {  	_ =	shalt  }
0x63: {  	_ =	shalt  }
0x64: {  	_ =	shalt  }
0x65: {  	_ =	shalt  }
0x66: {  	_ =	shalt  }
0x67: {  	_ =	shalt  }
0x68: {  	_ =	shalt  }
0x69: {  	_ =	shalt  }
0x6a: {  	_ =	shalt  }
0x6b: {  	_ =	shalt  }
0x6c: {  	_ =	shalt  }
0x6d: {  	_ =	shalt  }
0x6e: {  	_ =	shalt  }
0x6f: {  	_ =	shalt  }
0x70: {  	_ =	shalt  }
0x71: {  	_ =	shalt  }
0x72: {  	_ =	shalt  }
0x73: {  	_ =	shalt  }
0x74: {  	_ =	shalt  }
0x75: {  	_ =	shalt  }
0x76: {  	_ =	shalt  }
0x77: {  	_ =	shalt  }
0x78: {  	_ =	shalt  }
0x79: {  	_ =	shalt  }
0x7a: {  	_ =	shalt  }
0x7b: {  	_ =	shalt  }
0x7c: {  	_ =	shalt  }
0x7d: {  	_ =	shalt  }
0x7e: {  	_ =	shalt  }
0x7f: {  	_ =	shalt  }
0x80: {  	_ =	shalt  }
0x81: {  	_ =	shalt  }
0x82: {  	_ =	shalt  }
0x83: {  	_ =	shalt  }
0x84: {  	_ =	shalt  }
0x85: {  	_ =	shalt  }
0x86: {  	_ =	shalt  }
0x87: {  	_ =	shalt  }
.Lfunc_end0:
.L_simem_size_0:
called_computation.1_lowered:
.L_overlay_start_0:
0x88: {  	s2 =	sld [smem:$0x3FD9]  }
0x89: {  	s3 =	sld [smem:$0x3FFE];
	_ =	sdelay $0x1  }
0x8a: {  	s1 =	srdreg.scid  }
0x8b: {  	s0 =	sand.u32 $0x1, s1  }
0x8c: {  	s17 =	sshll.u32 s0, $0xA;
	s2 =	sadd.s32 s3, s2  }
0x8d: {  	s2 =	sadd.s32 s2, s17  }
0x8e: {  	[smem:$0x3FC3] =	sst s2  }
0x8f: {  	_ = 	snop  }
0x90: {  	s2 =	sld [smem:$0x3FD0];
	(tm) =	ssettm $0x1  }
0x91: {  	s18 =	sld [smem:$0x3FFB];
	_ =	sdelay $0x3  }
0x92: {  	_ =	strace s18  }
0x93: {  	s3 =	sld [smem:$0x3FFC];
	_ =	sdelay $0x3  }
0x94: {  	_ =	strace s3  }
0x95: {  	s3 =	sld [smem:$0x3FFD];
	_ =	sdelay $0x3  }
0x96: {  	_ =	strace s3  }
0x97: {  	_ =	strace $0x8FFFFFFF  }
0x98: {  	s19 =	sld [smem:$0x3FDB];
	_ =	sdelay $0x1  }
0x99: {  	s4 =	simm.s32 $_scs_section_size  }
0x9a: {  	s5 =	simm.s32 $_size__tile_overlayer_lowered;
	s6 =	simm.s32 $_tile_overlayer_lowered  }
0x9b: {  	s22 =	simm.s32 $0x1BFF;
	s21 =	sshll.u32 s6, $0x1;
	s3 =	sadd.s32 s4, s19  }
0x9c: {  	s7 =	simm.s32 $0x0;
	s20 =	sshll.u32 s5, $0x1;
	s5 =	sadd.s32 s21, s3  }
0x9d: {  	[timem:s7], [sflag:s22] =	dma.local [hbm:s5], s20  }
0x9e: {  	_ =	swait.ge [sflag:s22], s20  }
0x9f: {  	s4 =	ssub.s32 $0x0, s20;
	[sflag:s22] =	ssyncset.done $0x0  }
0xa0: {  	[sflag:s22] =	ssyncadd.s32 s4;
	_ =	sdelay $0x1  }
0xa1: {  	s23 =	simm.s32 $0x1B8B  }
0xa2: {  	_ =	swait.ge [sflag:s23], $0x1  }
0xa3: {  	[sflag:s23] =	ssyncset.done $0x0  }
0xa4: {  	s25 =	simm.s32 $0x1B8E;
	s24 =	sld [smem:$0x3FFE];
	[sflag:s23] =	ssyncadd.s32 $0xFFFFFFFF  }
0xa5: {  	s26 =	simm.s32 $execute0_lowered;
	[smem:$0x3FD2] =	sst s25  }
0xa6: {  	s5 =	sshll.u32 s26, $0x1;
	_ =	strace $0x80000049;
	[dreg:$0x1] =	wrdreg $0xFFFFFFFF  }
0xa7: {  	s28 =	simm.s32 $_size_execute0_lowered;
	s3 =	sadd.s32 s3, s5;
	[dreg:$0x0] =	wrdreg $0x0  }
0xa8: {  	s5 =	sshll.u32 s28, $0x1;
	[dreg:$0x2] =	wrdreg s3  }
0xa9: {  	[dreg:$0x3] =	wrdreg s5  }
0xaa: {  	[dreg:$0x4] =	wrdreg $0xC0  }
0xab: {  	_ =	task [dreg:s7], $0x5FFFF  }
0xac: {  	[dreg:$0x1] =	wrdreg $0xFFFFFFFF  }
0xad: {  	[dreg:$0x0] =	wrdreg $0x60  }
0xae: {  	[dreg:$0x2] =	wrdreg s24  }
0xaf: {  	[dreg:$0x3] =	wrdreg s2  }
0xb0: {  	[dreg:$0x4] =	wrdreg $0x9  }
0xb1: {  	_ =	task.clear_ibuf [dreg:s7], $0x5FFFF;
	_ =	strace $0x90000049  }
0xb2: {  	s29 =	simm.s32 $0x9;
	_ =	strace $0x8000004B  }
0xb3: {  	_ =	swait.ge [sflag:s29], $0x1  }
0xb4: {  	[sflag:s29] =	ssyncadd.s32 $0xFFFFFFFF  }
0xb5: {  	_ =	strace $0x9000004B  }
0xb6: {  	_ =	sfence  }
0xb7: {  	s30 =	sld [smem:$0x0];
	_ =	sdelay $0x2  }
0xb8: {  	s31 =	sshll.u32 s1, $0xD;
	s1 =	sshrl.u32 s1, $0x2  }
0xb9: {  	s3 =	sand.u32 $0x4000, s31;
	s1 =	sadd.s32 s1, s30  }
0xba: {  	s0 =	sor.u32 s3, s0;
	s1 =	sshll.u32 s1, $0x11  }
0xbb: {  	s0 =	sor.u32 s1, s0  }
0xbc: {  	s0 =	sadd.s32 $0x8F2B, s0  }
0xbd: {  	[sflag:s0] =	ssyncadd.remote.s32 $0x1  }
0xbe: {  	_ =	sfence.sel $0xFFFF  }
0xbf: {  	[dreg:$0x0] =	wrdreg $0xFFFFFFFF;
	(pc) =	sbr.abs _section_cstart, $3  }
0xc0: {  	[dreg:$0x1] =	wrdreg $0xFFFFFFFF  }
0xc1: {  	_ =	task.clear_ibuf [dreg:s7], $0x2FFFF;
	_ =	strace $0x9FFFFFFF  }
0xc2: {  	(tm) =	ssettm $0x7FFFFFFF  }
0xc3: {  	_ =	shalt  }
tec
execute0_lowered:
.L_overlay_start_1:
0x0: {  	(tag) =	ssettag $0x1  }
0x1: {  	s1 =	srdreg.scid  }
0x2: {  	s0 =	stileid.u32;
	s6 =	rddreg [dreg:$0x0]  }
0x3: {  	s4 =	rddreg [dreg:$0x1];
	s18 =	simm.s32 $0x880;
	s19 =	simm.s32 $0x1080  }
0x4: {  	s20 =	simm.s32 $0x1880;
	s22 =	simm.s32 $0x2080;
	s23 =	simm.s32 $0x2880  }
0x5: {  	s7 =	simm.s32 $0x3080;
	s24 =	simm.s32 $0x3880;
	s8 =	simm.s32 $0x4080  }
0x6: {  	s25 =	simm.s32 $0x4880;
	s26 =	simm.s32 $0x5080;
	s1 =	sand.u32 $0x1, s1  }
0x7: {  	s9 =	simm.s32 $0x80;
	s2 =	sshll.u32 s0, $0x7;
	s3 =	sshll.u32 s1, $0x6  }
0x8: {  	s11 =	simm.s32 $0x6080;
	s3 =	sor.u32 s3, s2;
	s2 =	simm.s32 $0x0  }
0x9: {  	s12 =	simm.s32 $0x6880;
	s13 =	simm.s32 $0x7080;
	[smem:$0x7FF] =	sst s2  }
0xa: {  	s14 =	simm.s32 $0x7880;
	_ =	strace $0x8000004A;
	[dreg:$0x5] =	wrdreg s18  }
0xb: {  	s15 =	simm.s32 $0x8080;
	s16 =	simm.s32 $0x8880;
	[dreg:$0x6] =	wrdreg s19  }
0xc: {  	s17 =	simm.s32 $0x9080;
	s28 =	simm.s32 $0xE080;
	[dreg:$0x7] =	wrdreg s20  }
0xd: {  	s29 =	simm.s32 $0xE880;
	s30 =	simm.s32 $0xF080;
	[dreg:$0x8] =	wrdreg s22  }
0xe: {  	s31 =	simm.s32 $0xF880;
	s1 =	ssub.s32 $0x2, s1;
	[dreg:$0x9] =	wrdreg s23  }
0xf: {  	s21 =	sshrl.u32 s1, $0x1;
	s5 =	sshrl.u32 s3, $0x3;
	[dreg:$0xa] =	wrdreg s7  }
0x10: {  	s3 =	sshll.u32 s3, $0x7;
	s1 =	ssub.s32 s1, s21;
	[dreg:$0xb] =	wrdreg s24  }
0x11: {  	s21 =	simm.s32 $0xB080;
	s5 =	sadd.s32 s5, s6;
	[dreg:$0xc] =	wrdreg s8  }
0x12: {  	s3 =	sadd.s32 s4, s3;
	s4 =	sadd.s32 $0x1500, s6;
	[dreg:$0xd] =	wrdreg s25  }
0x13: {  	s7 =	smax.u32 s1, $0x1;
	s8 =	simm.s32 $0x2;
	[dreg:$0xe] =	wrdreg s26  }
0x14: {  	s18 =	simm.s32 $0x9880;
	s19 =	simm.s32 $0xA080;
	s20 =	simm.s32 $0xA880  }
0x15: {  	s22 =	simm.s32 $0xB880;
	s23 =	simm.s32 $0xC080;
	s24 =	simm.s32 $0xC880  }
0x16: {  	v2 =	vlaneseq.u32;
	s25 =	simm.s32 $0xD080;
	s26 =	simm.s32 $0xD880;
	s1 =	simm.s32 $0x1  }
0x17: {  	vm0 =	vmmov $0xffff;
	v1 =	vshrl.u32 v2, $0x3;
	s5 =	sadd.s32 $0x1200, s5;
	[dreg:$0x4] =	wrdreg s3;
	s3 =	sadd.s32 $0x1400, s6  }
0x18: {  	v0 =	vand.u32 $0x7, v2;
	v2 =	vor.u32 $0x8, v2;
	v1 =	vmul.u32 $0x8, v1;
	[dreg:$0x3] =	wrdreg s5;
	s5 =	sadd.s32 $0x1600, s6;
	s6 =	sadd.s32 $0x1700, s6  }
.LBB2_1:
0x19: {  	s0 =	rddreg [dreg:$0x3]  }
0x1a: {  	[tilespmem:s2], [sflag:$0x2] =	stream.linear.gather [hbm4b:s0+s2], $0x40, $0x38;
	[tilespmem:$0x10080] =	vst v63  }
0x1b: {  	_ =	swait.ge [sflag:s8], $0x40  }
0x1c: {  	[sflag:s8] =	ssyncset.done $0x0  }
0x1d: {  	[sflag:s8] =	ssyncadd.s32 $0xFFFFFFC0  }
0x1e: {  	v3 =	vld [tilespmem:$0x0];
	_ =	sdelay $0x4  }
0x1f: {  	v4 =	vshll.u32 v3, $0x3  }
0x20: {  	v3 =	vand.u32 $0x7, v3;
	v4 =	vand.u32 $0xFFFFFFC0, v4  }
0x21: {  	v3 =	vor.u32 v3, v4  }
0x22: {  	v4 =	vperm.xlane v3, v0;
	_ =	sdelay $0x1  }
0x23: {  	v4 =	vadd.s32 v1, v4;
	_ =	sdelay $0x4  }
0x24: {  	[tilespmem:s9], [sflag:$0x1] =	stream.indirect_vreg.gather [hbm4b:s3+s2], $0x80, v4, vm0, $0xb8;
	[tilespmem:$0x10080] =	vst v63  }
0x25: {  	s0 =	rddreg [dreg:$0x5];
	v3 =	vperm.xlane v3, v2  }
0x26: {  	[tilespmem:s0], [sflag:$0x1] =	stream.indirect_vreg.gather [hbm4b:s4+s2], $0x80, v4, vm0, $0xb8;
	[tilespmem:$0x10080] =	vst v63  }
0x27: {  	s10 =	rddreg [dreg:$0x6];
	v3 =	vadd.s32 v1, v3  }
0x28: {  	[tilespmem:s10], [sflag:$0x1] =	stream.indirect_vreg.gather [hbm4b:s5+s2], $0x80, v4, vm0, $0xb8;
	[tilespmem:$0x10080] =	vst v63  }
0x29: {  	s0 =	rddreg [dreg:$0x7]  }
0x2a: {  	[tilespmem:s0], [sflag:$0x1] =	stream.indirect_vreg.gather [hbm4b:s6+s2], $0x80, v4, vm0, $0xb8;
	[tilespmem:$0x10080] =	vst v63  }
0x2b: {  	s10 =	rddreg [dreg:$0x8]  }
0x2c: {  	[tilespmem:s10], [sflag:$0x1] =	stream.indirect_vreg.gather [hbm4b:s3+s2], $0x80, v3, vm0, $0xb8;
	[tilespmem:$0x10080] =	vst v63  }
0x2d: {  	s0 =	rddreg [dreg:$0x9]  }
0x2e: {  	[tilespmem:s0], [sflag:$0x1] =	stream.indirect_vreg.gather [hbm4b:s4+s2], $0x80, v3, vm0, $0xb8;
	[tilespmem:$0x10080] =	vst v63  }
0x2f: {  	s10 =	rddreg [dreg:$0xa]  }
0x30: {  	[tilespmem:s10], [sflag:$0x1] =	stream.indirect_vreg.gather [hbm4b:s5+s2], $0x80, v3, vm0, $0xb8;
	[tilespmem:$0x10080] =	vst v63  }
0x31: {  	s0 =	rddreg [dreg:$0xb]  }
0x32: {  	[tilespmem:s0], [sflag:$0x1] =	stream.indirect_vreg.gather [hbm4b:s6+s2], $0x80, v3, vm0, $0xb8;
	[tilespmem:$0x10080] =	vst v63  }
0x33: {  	v3 =	vld [tilespmem:$0x10];
	_ =	sdelay $0x4  }
0x34: {  	v61 =	vshll.u32 v3, $0x3  }
0x35: {  	v3 =	vand.u32 $0x7, v3;
	v4 =	vand.u32 $0xFFFFFFC0, v61  }
0x36: {  	v3 =	vor.u32 v3, v4  }
0x37: {  	v4 =	vperm.xlane v3, v0;
	_ =	sdelay $0x1  }
0x38: {  	v4 =	vadd.s32 v1, v4;
	_ =	sdelay $0x3  }
0x39: {  	s0 =	rddreg [dreg:$0xc]  }
0x3a: {  	[tilespmem:s0], [sflag:$0x1] =	stream.indirect_vreg.gather [hbm4b:s3+s2], $0x80, v4, vm0, $0xb8;
	[tilespmem:$0x10080] =	vst v63  }
0x3b: {  	s10 =	rddreg [dreg:$0xd];
	v3 =	vperm.xlane v3, v2  }
0x3c: {  	[tilespmem:s10], [sflag:$0x1] =	stream.indirect_vreg.gather [hbm4b:s4+s2], $0x80, v4, vm0, $0xb8;
	[tilespmem:$0x10080] =	vst v63  }
0x3d: {  	v3 =	vadd.s32 v1, v3;
	s0 =	rddreg [dreg:$0xe]  }
0x3e: {  	[tilespmem:s0], [sflag:$0x1] =	stream.indirect_vreg.gather [hbm4b:s5+s2], $0x80, v4, vm0, $0xb8;
	[tilespmem:$0x10080] =	vst v63  }
0x3f: {  	s10 =	simm.s32 $0x5880  }
0x40: {  	[tilespmem:s10], [sflag:$0x1] =	stream.indirect_vreg.gather [hbm4b:s6+s2], $0x80, v4, vm0, $0xb8;
	[tilespmem:$0x10080] =	vst v63  }
0x41: {  	_ = 	snop  }
0x42: {  	[tilespmem:s11], [sflag:$0x1] =	stream.indirect_vreg.gather [hbm4b:s3+s2], $0x80, v3, vm0, $0xb8;
	[tilespmem:$0x10080] =	vst v63  }
0x43: {  	_ = 	snop  }
0x44: {  	[tilespmem:s12], [sflag:$0x1] =	stream.indirect_vreg.gather [hbm4b:s4+s2], $0x80, v3, vm0, $0xb8;
	[tilespmem:$0x10080] =	vst v63  }
0x45: {  	_ = 	snop  }
0x46: {  	[tilespmem:s13], [sflag:$0x1] =	stream.indirect_vreg.gather [hbm4b:s5+s2], $0x80, v3, vm0, $0xb8;
	[tilespmem:$0x10080] =	vst v63  }
0x47: {  	_ = 	snop  }
0x48: {  	[tilespmem:s14], [sflag:$0x1] =	stream.indirect_vreg.gather [hbm4b:s6+s2], $0x80, v3, vm0, $0xb8;
	[tilespmem:$0x10080] =	vst v63  }
0x49: {  	v3 =	vld [tilespmem:$0x20];
	_ =	sdelay $0x4  }
0x4a: {  	v62 =	vshll.u32 v3, $0x3  }
0x4b: {  	v3 =	vand.u32 $0x7, v3;
	v4 =	vand.u32 $0xFFFFFFC0, v62  }
0x4c: {  	v3 =	vor.u32 v3, v4  }
0x4d: {  	v4 =	vperm.xlane v3, v0;
	_ =	sdelay $0x1  }
0x4e: {  	v4 =	vadd.s32 v1, v4;
	_ =	sdelay $0x4  }
0x4f: {  	[tilespmem:s15], [sflag:$0x1] =	stream.indirect_vreg.gather [hbm4b:s3+s2], $0x80, v4, vm0, $0xb8;
	[tilespmem:$0x10080] =	vst v63  }
0x50: {  	v3 =	vperm.xlane v3, v2  }
0x51: {  	[tilespmem:s16], [sflag:$0x1] =	stream.indirect_vreg.gather [hbm4b:s4+s2], $0x80, v4, vm0, $0xb8;
	[tilespmem:$0x10080] =	vst v63  }
0x52: {  	v3 =	vadd.s32 v1, v3  }
0x53: {  	[tilespmem:s17], [sflag:$0x1] =	stream.indirect_vreg.gather [hbm4b:s5+s2], $0x80, v4, vm0, $0xb8;
	[tilespmem:$0x10080] =	vst v63  }
0x54: {  	_ = 	snop  }
0x55: {  	[tilespmem:s18], [sflag:$0x1] =	stream.indirect_vreg.gather [hbm4b:s6+s2], $0x80, v4, vm0, $0xb8;
	[tilespmem:$0x10080] =	vst v63  }
0x56: {  	_ = 	snop  }
0x57: {  	[tilespmem:s19], [sflag:$0x1] =	stream.indirect_vreg.gather [hbm4b:s3+s2], $0x80, v3, vm0, $0xb8;
	[tilespmem:$0x10080] =	vst v63  }
0x58: {  	_ = 	snop  }
0x59: {  	[tilespmem:s20], [sflag:$0x1] =	stream.indirect_vreg.gather [hbm4b:s4+s2], $0x80, v3, vm0, $0xb8;
	[tilespmem:$0x10080] =	vst v63  }
0x5a: {  	_ = 	snop  }
0x5b: {  	[tilespmem:s21], [sflag:$0x1] =	stream.indirect_vreg.gather [hbm4b:s5+s2], $0x80, v3, vm0, $0xb8;
	[tilespmem:$0x10080] =	vst v63  }
0x5c: {  	_ = 	snop  }
0x5d: {  	[tilespmem:s22], [sflag:$0x1] =	stream.indirect_vreg.gather [hbm4b:s6+s2], $0x80, v3, vm0, $0xb8;
	[tilespmem:$0x10080] =	vst v63  }
0x5e: {  	v3 =	vld [tilespmem:$0x30];
	_ =	sdelay $0x4  }
0x5f: {  	v63 =	vshll.u32 v3, $0x3  }
0x60: {  	v3 =	vand.u32 $0x7, v3;
	v4 =	vand.u32 $0xFFFFFFC0, v63  }
0x61: {  	v3 =	vor.u32 v3, v4  }
0x62: {  	v4 =	vperm.xlane v3, v0;
	_ =	sdelay $0x1  }
0x63: {  	v4 =	vadd.s32 v1, v4;
	_ =	sdelay $0x4  }
0x64: {  	[tilespmem:s23], [sflag:$0x1] =	stream.indirect_vreg.gather [hbm4b:s3+s2], $0x80, v4, vm0, $0xb8;
	[tilespmem:$0x10080] =	vst v63  }
0x65: {  	v3 =	vperm.xlane v3, v2  }
0x66: {  	[tilespmem:s24], [sflag:$0x1] =	stream.indirect_vreg.gather [hbm4b:s4+s2], $0x80, v4, vm0, $0xb8;
	[tilespmem:$0x10080] =	vst v63  }
0x67: {  	v3 =	vadd.s32 v1, v3  }
0x68: {  	[tilespmem:s25], [sflag:$0x1] =	stream.indirect_vreg.gather [hbm4b:s5+s2], $0x80, v4, vm0, $0xb8;
	[tilespmem:$0x10080] =	vst v63  }
0x69: {  	_ = 	snop  }
0x6a: {  	[tilespmem:s26], [sflag:$0x1] =	stream.indirect_vreg.gather [hbm4b:s6+s2], $0x80, v4, vm0, $0xb8;
	[tilespmem:$0x10080] =	vst v63  }
0x6b: {  	_ = 	snop  }
0x6c: {  	[tilespmem:s28], [sflag:$0x1] =	stream.indirect_vreg.gather [hbm4b:s3+s2], $0x80, v3, vm0, $0xb8;
	[tilespmem:$0x10080] =	vst v63  }
0x6d: {  	_ = 	snop  }
0x6e: {  	[tilespmem:s29], [sflag:$0x1] =	stream.indirect_vreg.gather [hbm4b:s4+s2], $0x80, v3, vm0, $0xb8;
	[tilespmem:$0x10080] =	vst v63  }
0x6f: {  	_ = 	snop  }
0x70: {  	[tilespmem:s30], [sflag:$0x1] =	stream.indirect_vreg.gather [hbm4b:s5+s2], $0x80, v3, vm0, $0xb8;
	[tilespmem:$0x10080] =	vst v63  }
0x71: {  	_ = 	snop  }
0x72: {  	[tilespmem:s31], [sflag:$0x1] =	stream.indirect_vreg.gather [hbm4b:s6+s2], $0x80, v3, vm0, $0xb8;
	[tilespmem:$0x10080] =	vst v63  }
0x73: {  	_ =	swait.ge [sflag:s1], $0x10000  }
0x74: {  	p0 =	sne.s32 s7, $0x1;
	[sflag:s1] =	ssyncset.done $0x0  }
.Ltmp0:
0x75: {  	s10 =	rddreg [dreg:$0x4];
	[sflag:s1] =	ssyncadd.s32 $0xFFFF0000;
	(pc) =	sbr.rel @p0 .LBB2_1-.Ltmp0, $4  }
0x76: {  	[hbm4b:s10+s2] =	stream.linear.scatter [tilespmem:s9], [sflag:$0x2], $0x10000, $0x38;
	[tilespmem:$0x10080] =	vst v63  }
0x77: {  	_ =	swait.ge [sflag:s8], $0x10000  }
0x78: {  	[sflag:s8] =	ssyncset.done $0x0  }
0x79: {  	s7 =	sadd.s32 $0xFFFFFFFF, s7;
	[sflag:s8] =	ssyncadd.s32 $0xFFFF0000  }
0x7a: {  	_ =	sfence.sel $0x180000  }
0x7b: {  	[bflag:$0x0] =	sbarrier.arrive $0xFFFF  }
0x7c: {  	_ =	strace $0x9000004A  }
0x7d: {  	s0 =	stileid.u32;
	[bflag:$0x2] =	sbarrier.arrive $0xFFFF  }
0x7e: {  	p0 =	sne.s32 s0, $0x0;
	s0 =	rddreg [dreg:$0x2]  }
0x7f: {  	s0 =	sadd.s32 @!p0 $0x100000, s0  }
0x80: {  	[sflag:s0] =	ssyncadd.tile.s32 @!p0 $0x1;
	_ =	shalt  }
.Lfunc_end2:
_tile_overlayer_lowered:
.L_overlay_start_2:
0x81: {  	(tag) =	ssettag $0x2  }
0x82: {  	s0 =	rddreg [dreg:$0x0];
	s2 =	stileid.u32  }
0x83: {  	s1 =	rddreg [dreg:$0x1];
	p0 =	sne.s32 s2, $0x0  }
0x84: {  	s3 =	rddreg [dreg:$0x2];
	[bflag:$0x3] =	sbarrier.arrive $0xFFFF;
	s2 =	simm.s32 @!p0 $0x1C02  }
0x85: {  	[timem:s3], [sflag:s2] =	dma.local @!p0 [hbm:s0], s1  }
0x86: {  	s0 =	simm.s32 @!p0 $0x2  }
0x87: {  	_ =	swait.ge @!p0 [sflag:s0], s1  }
0x88: {  	s1 =	ssub.s32 @!p0 $0x0, s1;
	[sflag:s0] =	ssyncset.done @!p0 $0x0  }
0x89: {  	[sflag:s0] =	ssyncadd.s32 @!p0 s1  }
0x8a: {  	[bflag:$0x3] =	sbarrier.arrive $0xFFFF  }
0x8b: {  	_ =	shalt  }

</sc_bundles>
